<compile_context>
chip_gen: v7x
topology: tpu7x:2x2x1
jax: 0.10.2.dev20260603
libtpu: 0.0.44.dev20260713+nightly
codegen_flags: <defaults>
</compile_context>

<pallas_src>
import functools

import jax
import jax.numpy as jnp
from jax import lax
from jax.experimental import pallas as pl
from jax.experimental.pallas import tpu as pltpu
from jax.experimental.pallas import tpu_sc as plsc

B = 16384
L = 200
D = 64
NUM_CORES = 2
NUM_SUBCORES = 16
NUM_WORKERS = NUM_CORES * NUM_SUBCORES
BW = B // NUM_WORKERS
FW = BW // 2
LPS = 20
NUM_SUPERS = L // LPS

_mesh = plsc.VectorSubcoreMesh(core_axis_name="c", subcore_axis_name="s")


@functools.partial(
    pl.kernel,
    mesh=_mesh,
    out_type=jax.ShapeDtypeStruct((L, B // 2, 2 * D), jnp.float32),
    scratch_types=[
        pltpu.VMEM((LPS, 2, FW), jnp.int32),
        pltpu.VMEM((LPS, 2, FW), jnp.int32),
        pltpu.VMEM((2, FW, D), jnp.float32),
        pltpu.VMEM((2, FW, D), jnp.float32),
        pltpu.SemaphoreType.DMA,
        pltpu.SemaphoreType.DMA,
        pltpu.SemaphoreType.DMA,
        pltpu.SemaphoreType.DMA,
    ],
    compiler_params=pltpu.CompilerParams(use_tc_tiling_on_sc=False),
)
def _emb_lookup_fused(idx_hbm, table_hbm, out_hbm,
                      idx_v0, idx_v1, rows0, rows1, sg0, sg1, ss0, ss1):
    wid = lax.axis_index("s") * NUM_CORES + lax.axis_index("c")
    wf = wid * FW
    idxb = (idx_v0, idx_v1)
    rows = (rows0, rows1)
    sg = (sg0, sg1)
    ss = (ss0, ss1)

    def gather_start(sb, li_local, b):
        for eo in range(2):
            pltpu.async_copy(
                table_hbm.at[idxb[sb].at[li_local, eo]],
                rows[b].at[eo], sg[b])

    def gather_wait(b):
        for eo in range(2):
            pltpu.make_async_copy(
                table_hbm.at[idx_v0.at[0, 0]], rows[b].at[eo], sg[b]).wait()

    def store_start(l, b):
        for eo in range(2):
            pltpu.async_copy(
                rows[b].at[eo],
                out_hbm.at[l, pl.ds(wf, FW), pl.ds(eo * D, D)], ss[b])

    def store_wait(b):
        for eo in range(2):
            pltpu.make_async_copy(
                rows[b].at[eo],
                out_hbm.at[0, pl.ds(wf, FW), pl.ds(eo * D, D)], ss[b]).wait()

    pltpu.sync_copy(
        idx_hbm.at[pl.ds(0, LPS), :, pl.ds(wf, FW)], idx_v0)
    gather_start(0, 0, 1)
    store_start(0, 0)

    def super_pair(sp, _):
        for sb in (0, 1):
            s = 2 * sp + sb
            pltpu.sync_copy(
                idx_hbm.at[pl.ds(s * LPS, LPS), :, pl.ds(wf, FW)], idxb[sb])

            def pos_pair(p, _):
                for b in (0, 1):
                    li = 2 * p + b
                    l = s * LPS + li
                    store_wait(b)
                    gather_start(sb, li, b)
                    gather_wait(1 - b)
                    store_start(jnp.maximum(l - 1, 0), 1 - b)
                return 0

            lax.fori_loop(0, LPS // 2, pos_pair, 0)
        return 0

    lax.fori_loop(0, NUM_SUPERS // 2, super_pair, 0)

    gather_wait(1)
    store_start(L - 1, 1)
    store_wait(0)
    store_wait(1)


def kernel(indices, table):
    idx_eo = indices.T.reshape(L, B // 2, 2).transpose(0, 2, 1)
    out_f = _emb_lookup_fused(idx_eo, table)
    return out_f.reshape(L, B, D).transpose(1, 0, 2)

# --- scband reference (transcript-rebuilt; emitter-appended) ---
"""Pipeline reference for scband-positional-embedding-1846835937658 (READ-ONLY COPY).

The authoritative reference and input builder live on the scoring server;
editing this copy changes nothing except your own understanding.
"""

import jax, jax.numpy as jnp
import numpy as np

NUM_EMBEDDINGS = 100000
EMBEDDING_DIM = 64
PADDING_IDX = 0
B = 16384
L = 200


def setup_inputs(seed: int = 0) -> dict:
    key = jax.random.key(seed)
    k_idx, k_tab = jax.random.split(key)
    indices = jax.random.randint(k_idx, (B, L), 0, NUM_EMBEDDINGS)
    table = jax.random.normal(k_tab, (NUM_EMBEDDINGS, EMBEDDING_DIM), dtype=jnp.float32)
    # torch.nn.Embedding with padding_idx zeros that row at init
    table = table.at[PADDING_IDX].set(0.0)
    return {"indices": indices, "table": table}


def reference(indices, table):
    # Faithful translation of PositionalEmbedding.forward with
    # include_cls_token=False (the default): a plain embedding lookup.
    # padding_idx semantics: row PADDING_IDX is pinned to zero.
    W = table.at[PADDING_IDX].set(0.0)
    return jnp.take(W, indices, axis=0)

if __name__ == "__main__":
    import jax
    _d = setup_inputs()
    print(jax.jit(kernel)(*tuple(_d.values())))

</pallas_src>

<mosaic_0001>
#map = affine_map<(d0, d1) -> (0, 0, 0)>
#map1 = affine_map<(d0, d1) -> (0, 0)>
module attributes {stable_mosaic.version = 14 : i64} {
  func.func @_emb_lookup_fused(%arg0: i32, %arg1: i32, %arg2: memref<200x2x8192xi32, #tpu.memory_space<hbm>>, %arg3: memref<100000x64xf32, #tpu.memory_space<hbm>>, %arg4: memref<200x8192x128xf32, #tpu.memory_space<hbm>>, %arg5: memref<20x2x256xi32, #tpu.memory_space<vmem>>, %arg6: memref<20x2x256xi32, #tpu.memory_space<vmem>>, %arg7: memref<2x256x64xf32, #tpu.memory_space<vmem>>, %arg8: memref<2x256x64xf32, #tpu.memory_space<vmem>>, %arg9: memref<!tpu.dma_semaphore, #tpu.memory_space<semaphore_mem>>, %arg10: memref<!tpu.dma_semaphore, #tpu.memory_space<semaphore_mem>>, %arg11: memref<!tpu.dma_semaphore, #tpu.memory_space<semaphore_mem>>, %arg12: memref<!tpu.dma_semaphore, #tpu.memory_space<semaphore_mem>>) attributes {dimension_semantics = [#tpu.dimension_semantics<core_parallel>, #tpu.dimension_semantics<subcore_parallel>], iteration_bounds = array<i64: 2, 16>, scalar_prefetch = 0 : i64, scratch_operands = 8 : i64, tpu.core_type = #tpu.core_type<sc_vector_subcore>, window_params = [{transform_indices = #map}, {transform_indices = #map1}, {transform_indices = #map}]} {
    %mul3A = arith.constant 2 : i32
    %mul3A_0 = arith.muli %arg1, %mul3A : i32
    %add3A = arith.addi %mul3A_0, %arg0 : i32
    %mul3A_1 = arith.constant 256 : i32
    %mul3A_2 = arith.muli %add3A, %mul3A_1 : i32
    "tpu.region"() ({
      %run_scoped3A = tpu.sem_alloc : memref<!tpu.dma_semaphore, #tpu.memory_space<semaphore_mem>>
      %dma_start3A_187 = arith.constant 0 : i32
      %dma_start3A_188 = arith.constant 0 : i32
      %dma_start3A_189 = tpu.memref_slice %arg2[%dma_start3A_187, %dma_start3A_188, %mul3A_2] : memref<200x2x8192xi32, #tpu.memory_space<hbm>> -> memref<20x2x256xi32, #tpu.memory_space<hbm>>
      %dma_start3A_190 = arith.constant 0 : i32
      %dma_start3A_191 = arith.constant 0 : i32
      %dma_start3A_192 = tpu.memref_slice %arg2[%dma_start3A_190, %dma_start3A_191, %mul3A_2] : memref<200x2x8192xi32, #tpu.memory_space<hbm>> -> memref<20x2x256xi32, #tpu.memory_space<hbm>>
      tpu.enqueue_dma source(%dma_start3A_192 : memref<20x2x256xi32, #tpu.memory_space<hbm>>) target(%arg5 : memref<20x2x256xi32, #tpu.memory_space<vmem>>) target_semaphore(%run_scoped3A : memref<!tpu.dma_semaphore, #tpu.memory_space<semaphore_mem>>)
      %dma_wait3A_193 = arith.constant 0 : i32
      %dma_wait3A_194 = arith.constant 0 : i32
      %dma_wait3A_195 = tpu.memref_slice %arg2[%dma_wait3A_193, %dma_wait3A_194, %mul3A_2] : memref<200x2x8192xi32, #tpu.memory_space<hbm>> -> memref<20x2x256xi32, #tpu.memory_space<hbm>>
      %dma_wait3A_196 = arith.constant 0 : i32
      %dma_wait3A_197 = arith.constant 0 : i32
      %dma_wait3A_198 = tpu.memref_slice %arg2[%dma_wait3A_196, %dma_wait3A_197, %mul3A_2] : memref<200x2x8192xi32, #tpu.memory_space<hbm>> -> memref<20x2x256xi32, #tpu.memory_space<hbm>>
      tpu.wait_dma2 semaphore(%run_scoped3A : memref<!tpu.dma_semaphore, #tpu.memory_space<semaphore_mem>>) src(%dma_wait3A_198 : memref<20x2x256xi32, #tpu.memory_space<hbm>>) dst(%arg5 : memref<20x2x256xi32, #tpu.memory_space<vmem>>)
      tpu.yield
    }) : () -> ()
    %dma_start3A = arith.constant 0 : i32
    %dma_start3A_3 = arith.constant 0 : i32
    %dma_start3A_4 = arith.constant 0 : i32
    %dma_start3A_5 = arith.constant 0 : i32
    %dma_start3A_6 = arith.constant 0 : i32
    %dma_start3A_7 = tpu.memref_slice %arg8[%dma_start3A_4, %dma_start3A_5, %dma_start3A_6] : memref<2x256x64xf32, #tpu.memory_space<vmem>> -> memref<1x256x64xf32, #tpu.memory_space<vmem>>
    %dma_start3A_8 = tpu.memref_squeeze %dma_start3A_7 : memref<1x256x64xf32, #tpu.memory_space<vmem>> -> memref<256x64xf32, #tpu.memory_space<vmem>>
    %dma_start3A_9 = arith.constant 0 : i32
    %dma_start3A_10 = tpu.memref_slice %arg5[%dma_start3A, %dma_start3A_3, %dma_start3A_9] : memref<20x2x256xi32, #tpu.memory_space<vmem>> -> memref<1x1x256xi32, #tpu.memory_space<vmem>>
    %dma_start3A_11 = tpu.memref_squeeze %dma_start3A_10 : memref<1x1x256xi32, #tpu.memory_space<vmem>> -> memref<256xi32, #tpu.memory_space<vmem>>
    %dma_start3A_12 = arith.constant 0 : i32
    %dma_start3A_13 = arith.constant 0 : i32
    %dma_start3A_14 = tpu.memref_slice %arg3[%dma_start3A_12, %dma_start3A_13] : memref<100000x64xf32, #tpu.memory_space<hbm>> -> memref<100000x64xf32, #tpu.memory_space<hbm>>
    tpu.enqueue_indirect_dma source(%dma_start3A_14 : memref<100000x64xf32, #tpu.memory_space<hbm>>) target(%dma_start3A_8 : memref<256x64xf32, #tpu.memory_space<vmem>>) offsets(%dma_start3A_11 : memref<256xi32, #tpu.memory_space<vmem>>) semaphore(%arg10 : memref<!tpu.dma_semaphore, #tpu.memory_space<semaphore_mem>>)
    %dma_start3A_15 = arith.constant 0 : i32
    %dma_start3A_16 = arith.constant 1 : i32
    %dma_start3A_17 = arith.constant 1 : i32
    %dma_start3A_18 = arith.constant 0 : i32
    %dma_start3A_19 = arith.constant 0 : i32
    %dma_start3A_20 = tpu.memref_slice %arg8[%dma_start3A_17, %dma_start3A_18, %dma_start3A_19] : memref<2x256x64xf32, #tpu.memory_space<vmem>> -> memref<1x256x64xf32, #tpu.memory_space<vmem>>
    %dma_start3A_21 = tpu.memref_squeeze %dma_start3A_20 : memref<1x256x64xf32, #tpu.memory_space<vmem>> -> memref<256x64xf32, #tpu.memory_space<vmem>>
    %dma_start3A_22 = arith.constant 0 : i32
    %dma_start3A_23 = tpu.memref_slice %arg5[%dma_start3A_15, %dma_start3A_16, %dma_start3A_22] : memref<20x2x256xi32, #tpu.memory_space<vmem>> -> memref<1x1x256xi32, #tpu.memory_space<vmem>>
    %dma_start3A_24 = tpu.memref_squeeze %dma_start3A_23 : memref<1x1x256xi32, #tpu.memory_space<vmem>> -> memref<256xi32, #tpu.memory_space<vmem>>
    %dma_start3A_25 = arith.constant 0 : i32
    %dma_start3A_26 = arith.constant 0 : i32
    %dma_start3A_27 = tpu.memref_slice %arg3[%dma_start3A_25, %dma_start3A_26] : memref<100000x64xf32, #tpu.memory_space<hbm>> -> memref<100000x64xf32, #tpu.memory_space<hbm>>
    tpu.enqueue_indirect_dma source(%dma_start3A_27 : memref<100000x64xf32, #tpu.memory_space<hbm>>) target(%dma_start3A_21 : memref<256x64xf32, #tpu.memory_space<vmem>>) offsets(%dma_start3A_24 : memref<256xi32, #tpu.memory_space<vmem>>) semaphore(%arg10 : memref<!tpu.dma_semaphore, #tpu.memory_space<semaphore_mem>>)
    %dma_start3A_28 = arith.constant 0 : i32
    %dma_start3A_29 = arith.constant 0 : i32
    %dma_start3A_30 = arith.constant 0 : i32
    %dma_start3A_31 = arith.constant 0 : i32
    %dma_start3A_32 = tpu.memref_slice %arg7[%dma_start3A_28, %dma_start3A_30, %dma_start3A_31] : memref<2x256x64xf32, #tpu.memory_space<vmem>> -> memref<1x256x64xf32, #tpu.memory_space<vmem>>
    %dma_start3A_33 = tpu.memref_squeeze %dma_start3A_32 : memref<1x256x64xf32, #tpu.memory_space<vmem>> -> memref<256x64xf32, #tpu.memory_space<vmem>>
    %dma_start3A_34 = arith.constant 0 : i32
    %dma_start3A_35 = tpu.memref_slice %arg4[%dma_start3A_29, %mul3A_2, %dma_start3A_34] : memref<200x8192x128xf32, #tpu.memory_space<hbm>> -> memref<1x256x64xf32, #tpu.memory_space<hbm>>
    %dma_start3A_36 = tpu.memref_squeeze %dma_start3A_35 : memref<1x256x64xf32, #tpu.memory_space<hbm>> -> memref<256x64xf32, #tpu.memory_space<hbm>>
    %dma_start3A_37 = arith.constant 0 : i32
    %dma_start3A_38 = tpu.memref_slice %arg4[%dma_start3A_29, %mul3A_2, %dma_start3A_37] : memref<200x8192x128xf32, #tpu.memory_space<hbm>> -> memref<1x256x64xf32, #tpu.memory_space<hbm>>
    %dma_start3A_39 = tpu.memref_squeeze %dma_start3A_38 : memref<1x256x64xf32, #tpu.memory_space<hbm>> -> memref<256x64xf32, #tpu.memory_space<hbm>>
    %dma_start3A_40 = arith.constant 0 : i32
    %dma_start3A_41 = arith.constant 0 : i32
    %dma_start3A_42 = tpu.memref_slice %arg7[%dma_start3A_28, %dma_start3A_40, %dma_start3A_41] : memref<2x256x64xf32, #tpu.memory_space<vmem>> -> memref<1x256x64xf32, #tpu.memory_space<vmem>>
    %dma_start3A_43 = tpu.memref_squeeze %dma_start3A_42 : memref<1x256x64xf32, #tpu.memory_space<vmem>> -> memref<256x64xf32, #tpu.memory_space<vmem>>
    tpu.enqueue_dma source(%dma_start3A_43 : memref<256x64xf32, #tpu.memory_space<vmem>>) target(%dma_start3A_39 : memref<256x64xf32, #tpu.memory_space<hbm>>) target_semaphore(%arg11 : memref<!tpu.dma_semaphore, #tpu.memory_space<semaphore_mem>>)
    %dma_start3A_44 = arith.constant 1 : i32
    %dma_start3A_45 = arith.constant 0 : i32
    %dma_start3A_46 = arith.constant 0 : i32
    %dma_start3A_47 = arith.constant 0 : i32
    %dma_start3A_48 = tpu.memref_slice %arg7[%dma_start3A_44, %dma_start3A_46, %dma_start3A_47] : memref<2x256x64xf32, #tpu.memory_space<vmem>> -> memref<1x256x64xf32, #tpu.memory_space<vmem>>
    %dma_start3A_49 = tpu.memref_squeeze %dma_start3A_48 : memref<1x256x64xf32, #tpu.memory_space<vmem>> -> memref<256x64xf32, #tpu.memory_space<vmem>>
    %dma_start3A_50 = arith.constant 64 : i32
    %dma_start3A_51 = tpu.memref_slice %arg4[%dma_start3A_45, %mul3A_2, %dma_start3A_50] : memref<200x8192x128xf32, #tpu.memory_space<hbm>> -> memref<1x256x64xf32, #tpu.memory_space<hbm>>
    %dma_start3A_52 = tpu.memref_squeeze %dma_start3A_51 : memref<1x256x64xf32, #tpu.memory_space<hbm>> -> memref<256x64xf32, #tpu.memory_space<hbm>>
    %dma_start3A_53 = arith.constant 64 : i32
    %dma_start3A_54 = tpu.memref_slice %arg4[%dma_start3A_45, %mul3A_2, %dma_start3A_53] : memref<200x8192x128xf32, #tpu.memory_space<hbm>> -> memref<1x256x64xf32, #tpu.memory_space<hbm>>
    %dma_start3A_55 = tpu.memref_squeeze %dma_start3A_54 : memref<1x256x64xf32, #tpu.memory_space<hbm>> -> memref<256x64xf32, #tpu.memory_space<hbm>>
    %dma_start3A_56 = arith.constant 0 : i32
    %dma_start3A_57 = arith.constant 0 : i32
    %dma_start3A_58 = tpu.memref_slice %arg7[%dma_start3A_44, %dma_start3A_56, %dma_start3A_57] : memref<2x256x64xf32, #tpu.memory_space<vmem>> -> memref<1x256x64xf32, #tpu.memory_space<vmem>>
    %dma_start3A_59 = tpu.memref_squeeze %dma_start3A_58 : memref<1x256x64xf32, #tpu.memory_space<vmem>> -> memref<256x64xf32, #tpu.memory_space<vmem>>
    tpu.enqueue_dma source(%dma_start3A_59 : memref<256x64xf32, #tpu.memory_space<vmem>>) target(%dma_start3A_55 : memref<256x64xf32, #tpu.memory_space<hbm>>) target_semaphore(%arg11 : memref<!tpu.dma_semaphore, #tpu.memory_space<semaphore_mem>>)
    %scan3A = arith.constant 0 : i32
    %scan3A_60 = arith.constant 0 : i32
    %scan3A_61 = arith.constant 5 : i32
    %scan3A_62 = arith.addi %scan3A_60, %scan3A_61 : i32
    %scan3A_63 = arith.constant 1 : i32
    %scan3A_64 = scf.for %scan3A_187 = %scan3A_60 to %scan3A_62 step %scan3A_63 iter_args(%scan3A_188 = %scan3A) -> (i32)  : i32 {
      %mul3A_189 = arith.constant 2 : i32
      %mul3A_190 = arith.muli %mul3A_189, %scan3A_187 : i32
      %add3A_191 = arith.constant 0 : i32
      %add3A_192 = arith.addi %mul3A_190, %add3A_191 : i32
      %mul3A_193 = arith.constant 20 : i32
      %mul3A_194 = arith.muli %add3A_192, %mul3A_193 : i32
      "tpu.region"() ({
        %run_scoped3A = tpu.sem_alloc : memref<!tpu.dma_semaphore, #tpu.memory_space<semaphore_mem>>
        %dma_start3A_216 = arith.constant 0 : i32
        %dma_start3A_217 = tpu.memref_slice %arg2[%mul3A_194, %dma_start3A_216, %mul3A_2] : memref<200x2x8192xi32, #tpu.memory_space<hbm>> -> memref<20x2x256xi32, #tpu.memory_space<hbm>>
        %dma_start3A_218 = arith.constant 0 : i32
        %dma_start3A_219 = tpu.memref_slice %arg2[%mul3A_194, %dma_start3A_218, %mul3A_2] : memref<200x2x8192xi32, #tpu.memory_space<hbm>> -> memref<20x2x256xi32, #tpu.memory_space<hbm>>
        tpu.enqueue_dma source(%dma_start3A_219 : memref<20x2x256xi32, #tpu.memory_space<hbm>>) target(%arg5 : memref<20x2x256xi32, #tpu.memory_space<vmem>>) target_semaphore(%run_scoped3A : memref<!tpu.dma_semaphore, #tpu.memory_space<semaphore_mem>>)
        %dma_wait3A_220 = arith.constant 0 : i32
        %dma_wait3A_221 = tpu.memref_slice %arg2[%mul3A_194, %dma_wait3A_220, %mul3A_2] : memref<200x2x8192xi32, #tpu.memory_space<hbm>> -> memref<20x2x256xi32, #tpu.memory_space<hbm>>
        %dma_wait3A_222 = arith.constant 0 : i32
        %dma_wait3A_223 = tpu.memref_slice %arg2[%mul3A_194, %dma_wait3A_222, %mul3A_2] : memref<200x2x8192xi32, #tpu.memory_space<hbm>> -> memref<20x2x256xi32, #tpu.memory_space<hbm>>
        tpu.wait_dma2 semaphore(%run_scoped3A : memref<!tpu.dma_semaphore, #tpu.memory_space<semaphore_mem>>) src(%dma_wait3A_223 : memref<20x2x256xi32, #tpu.memory_space<hbm>>) dst(%arg5 : memref<20x2x256xi32, #tpu.memory_space<vmem>>)
        tpu.yield
      }) : () -> ()
      %scan3A_195 = arith.constant 0 : i32
      %scan3A_196 = arith.constant 0 : i32
      %scan3A_197 = arith.constant 10 : i32
      %scan3A_198 = arith.addi %scan3A_196, %scan3A_197 : i32
      %scan3A_199 = arith.constant 1 : i32
      %scan3A_200 = scf.for %scan3A_216 = %scan3A_196 to %scan3A_198 step %scan3A_199 iter_args(%scan3A_217 = %scan3A_195) -> (i32)  : i32 {
        %mul3A_218 = arith.constant 2 : i32
        %mul3A_219 = arith.muli %mul3A_218, %scan3A_216 : i32
        %add3A_220 = arith.constant 0 : i32
        %add3A_221 = arith.addi %mul3A_219, %add3A_220 : i32
        %mul3A_222 = arith.constant 20 : i32
        %mul3A_223 = arith.muli %add3A_192, %mul3A_222 : i32
        %add3A_224 = arith.addi %mul3A_223, %add3A_221 : i32
        %dma_wait3A_225 = arith.constant 0 : i32
        %dma_wait3A_226 = arith.constant 0 : i32
        %dma_wait3A_227 = arith.constant 0 : i32
        %dma_wait3A_228 = arith.constant 0 : i32
        %dma_wait3A_229 = tpu.memref_slice %arg7[%dma_wait3A_225, %dma_wait3A_227, %dma_wait3A_228] : memref<2x256x64xf32, #tpu.memory_space<vmem>> -> memref<1x256x64xf32, #tpu.memory_space<vmem>>
        %dma_wait3A_230 = tpu.memref_squeeze %dma_wait3A_229 : memref<1x256x64xf32, #tpu.memory_space<vmem>> -> memref<256x64xf32, #tpu.memory_space<vmem>>
        %dma_wait3A_231 = arith.constant 0 : i32
        %dma_wait3A_232 = tpu.memref_slice %arg4[%dma_wait3A_226, %mul3A_2, %dma_wait3A_231] : memref<200x8192x128xf32, #tpu.memory_space<hbm>> -> memref<1x256x64xf32, #tpu.memory_space<hbm>>
        %dma_wait3A_233 = tpu.memref_squeeze %dma_wait3A_232 : memref<1x256x64xf32, #tpu.memory_space<hbm>> -> memref<256x64xf32, #tpu.memory_space<hbm>>
        %dma_wait3A_234 = arith.constant 0 : i32
        %dma_wait3A_235 = tpu.memref_slice %arg4[%dma_wait3A_226, %mul3A_2, %dma_wait3A_234] : memref<200x8192x128xf32, #tpu.memory_space<hbm>> -> memref<1x256x64xf32, #tpu.memory_space<hbm>>
        %dma_wait3A_236 = tpu.memref_squeeze %dma_wait3A_235 : memref<1x256x64xf32, #tpu.memory_space<hbm>> -> memref<256x64xf32, #tpu.memory_space<hbm>>
        %dma_wait3A_237 = arith.constant 0 : i32
        %dma_wait3A_238 = arith.constant 0 : i32
        %dma_wait3A_239 = tpu.memref_slice %arg7[%dma_wait3A_225, %dma_wait3A_237, %dma_wait3A_238] : memref<2x256x64xf32, #tpu.memory_space<vmem>> -> memref<1x256x64xf32, #tpu.memory_space<vmem>>
        %dma_wait3A_240 = tpu.memref_squeeze %dma_wait3A_239 : memref<1x256x64xf32, #tpu.memory_space<vmem>> -> memref<256x64xf32, #tpu.memory_space<vmem>>
        tpu.wait_dma2 semaphore(%arg11 : memref<!tpu.dma_semaphore, #tpu.memory_space<semaphore_mem>>) src(%dma_wait3A_240 : memref<256x64xf32, #tpu.memory_space<vmem>>) dst(%dma_wait3A_236 : memref<256x64xf32, #tpu.memory_space<hbm>>)
        %dma_wait3A_241 = arith.constant 1 : i32
        %dma_wait3A_242 = arith.constant 0 : i32
        %dma_wait3A_243 = arith.constant 0 : i32
        %dma_wait3A_244 = arith.constant 0 : i32
        %dma_wait3A_245 = tpu.memref_slice %arg7[%dma_wait3A_241, %dma_wait3A_243, %dma_wait3A_244] : memref<2x256x64xf32, #tpu.memory_space<vmem>> -> memref<1x256x64xf32, #tpu.memory_space<vmem>>
        %dma_wait3A_246 = tpu.memref_squeeze %dma_wait3A_245 : memref<1x256x64xf32, #tpu.memory_space<vmem>> -> memref<256x64xf32, #tpu.memory_space<vmem>>
        %dma_wait3A_247 = arith.constant 64 : i32
        %dma_wait3A_248 = tpu.memref_slice %arg4[%dma_wait3A_242, %mul3A_2, %dma_wait3A_247] : memref<200x8192x128xf32, #tpu.memory_space<hbm>> -> memref<1x256x64xf32, #tpu.memory_space<hbm>>
        %dma_wait3A_249 = tpu.memref_squeeze %dma_wait3A_248 : memref<1x256x64xf32, #tpu.memory_space<hbm>> -> memref<256x64xf32, #tpu.memory_space<hbm>>
        %dma_wait3A_250 = arith.constant 64 : i32
        %dma_wait3A_251 = tpu.memref_slice %arg4[%dma_wait3A_242, %mul3A_2, %dma_wait3A_250] : memref<200x8192x128xf32, #tpu.memory_space<hbm>> -> memref<1x256x64xf32, #tpu.memory_space<hbm>>
        %dma_wait3A_252 = tpu.memref_squeeze %dma_wait3A_251 : memref<1x256x64xf32, #tpu.memory_space<hbm>> -> memref<256x64xf32, #tpu.memory_space<hbm>>
        %dma_wait3A_253 = arith.constant 0 : i32
        %dma_wait3A_254 = arith.constant 0 : i32
        %dma_wait3A_255 = tpu.memref_slice %arg7[%dma_wait3A_241, %dma_wait3A_253, %dma_wait3A_254] : memref<2x256x64xf32, #tpu.memory_space<vmem>> -> memref<1x256x64xf32, #tpu.memory_space<vmem>>
        %dma_wait3A_256 = tpu.memref_squeeze %dma_wait3A_255 : memref<1x256x64xf32, #tpu.memory_space<vmem>> -> memref<256x64xf32, #tpu.memory_space<vmem>>
        tpu.wait_dma2 semaphore(%arg11 : memref<!tpu.dma_semaphore, #tpu.memory_space<semaphore_mem>>) src(%dma_wait3A_256 : memref<256x64xf32, #tpu.memory_space<vmem>>) dst(%dma_wait3A_252 : memref<256x64xf32, #tpu.memory_space<hbm>>)
        %dma_start3A_257 = arith.constant 0 : i32
        %dma_start3A_258 = arith.constant 0 : i32
        %dma_start3A_259 = arith.constant 0 : i32
        %dma_start3A_260 = arith.constant 0 : i32
        %dma_start3A_261 = tpu.memref_slice %arg7[%dma_start3A_258, %dma_start3A_259, %dma_start3A_260] : memref<2x256x64xf32, #tpu.memory_space<vmem>> -> memref<1x256x64xf32, #tpu.memory_space<vmem>>
        %dma_start3A_262 = tpu.memref_squeeze %dma_start3A_261 : memref<1x256x64xf32, #tpu.memory_space<vmem>> -> memref<256x64xf32, #tpu.memory_space<vmem>>
        %dma_start3A_263 = arith.constant 0 : i32
        %dma_start3A_264 = tpu.memref_slice %arg5[%add3A_221, %dma_start3A_257, %dma_start3A_263] : memref<20x2x256xi32, #tpu.memory_space<vmem>> -> memref<1x1x256xi32, #tpu.memory_space<vmem>>
        %dma_start3A_265 = tpu.memref_squeeze %dma_start3A_264 : memref<1x1x256xi32, #tpu.memory_space<vmem>> -> memref<256xi32, #tpu.memory_space<vmem>>
        %dma_start3A_266 = arith.constant 0 : i32
        %dma_start3A_267 = arith.constant 0 : i32
        %dma_start3A_268 = tpu.memref_slice %arg3[%dma_start3A_266, %dma_start3A_267] : memref<100000x64xf32, #tpu.memory_space<hbm>> -> memref<100000x64xf32, #tpu.memory_space<hbm>>
        tpu.enqueue_indirect_dma source(%dma_start3A_268 : memref<100000x64xf32, #tpu.memory_space<hbm>>) target(%dma_start3A_262 : memref<256x64xf32, #tpu.memory_space<vmem>>) offsets(%dma_start3A_265 : memref<256xi32, #tpu.memory_space<vmem>>) semaphore(%arg9 : memref<!tpu.dma_semaphore, #tpu.memory_space<semaphore_mem>>)
        %dma_start3A_269 = arith.constant 1 : i32
        %dma_start3A_270 = arith.constant 1 : i32
        %dma_start3A_271 = arith.constant 0 : i32
        %dma_start3A_272 = arith.constant 0 : i32
        %dma_start3A_273 = tpu.memref_slice %arg7[%dma_start3A_270, %dma_start3A_271, %dma_start3A_272] : memref<2x256x64xf32, #tpu.memory_space<vmem>> -> memref<1x256x64xf32, #tpu.memory_space<vmem>>
        %dma_start3A_274 = tpu.memref_squeeze %dma_start3A_273 : memref<1x256x64xf32, #tpu.memory_space<vmem>> -> memref<256x64xf32, #tpu.memory_space<vmem>>
        %dma_start3A_275 = arith.constant 0 : i32
        %dma_start3A_276 = tpu.memref_slice %arg5[%add3A_221, %dma_start3A_269, %dma_start3A_275] : memref<20x2x256xi32, #tpu.memory_space<vmem>> -> memref<1x1x256xi32, #tpu.memory_space<vmem>>
        %dma_start3A_277 = tpu.memref_squeeze %dma_start3A_276 : memref<1x1x256xi32, #tpu.memory_space<vmem>> -> memref<256xi32, #tpu.memory_space<vmem>>
        %dma_start3A_278 = arith.constant 0 : i32
        %dma_start3A_279 = arith.constant 0 : i32
        %dma_start3A_280 = tpu.memref_slice %arg3[%dma_start3A_278, %dma_start3A_279] : memref<100000x64xf32, #tpu.memory_space<hbm>> -> memref<100000x64xf32, #tpu.memory_space<hbm>>
        tpu.enqueue_indirect_dma source(%dma_start3A_280 : memref<100000x64xf32, #tpu.memory_space<hbm>>) target(%dma_start3A_274 : memref<256x64xf32, #tpu.memory_space<vmem>>) offsets(%dma_start3A_277 : memref<256xi32, #tpu.memory_space<vmem>>) semaphore(%arg9 : memref<!tpu.dma_semaphore, #tpu.memory_space<semaphore_mem>>)
        %dma_wait3A_281 = arith.constant 0 : i32
        %dma_wait3A_282 = arith.constant 0 : i32
        %dma_wait3A_283 = arith.constant 0 : i32
        %dma_wait3A_284 = arith.constant 0 : i32
        %dma_wait3A_285 = arith.constant 0 : i32
        %dma_wait3A_286 = tpu.memref_slice %arg8[%dma_wait3A_283, %dma_wait3A_284, %dma_wait3A_285] : memref<2x256x64xf32, #tpu.memory_space<vmem>> -> memref<1x256x64xf32, #tpu.memory_space<vmem>>
        %dma_wait3A_287 = tpu.memref_squeeze %dma_wait3A_286 : memref<1x256x64xf32, #tpu.memory_space<vmem>> -> memref<256x64xf32, #tpu.memory_space<vmem>>
        %dma_wait3A_288 = arith.constant 0 : i32
        %dma_wait3A_289 = tpu.memref_slice %arg5[%dma_wait3A_281, %dma_wait3A_282, %dma_wait3A_288] : memref<20x2x256xi32, #tpu.memory_space<vmem>> -> memref<1x1x256xi32, #tpu.memory_space<vmem>>
        %dma_wait3A_290 = tpu.memref_squeeze %dma_wait3A_289 : memref<1x1x256xi32, #tpu.memory_space<vmem>> -> memref<256xi32, #tpu.memory_space<vmem>>
        %dma_wait3A_291 = arith.constant 0 : i32
        %dma_wait3A_292 = arith.constant 0 : i32
        %dma_wait3A_293 = tpu.memref_slice %arg3[%dma_wait3A_291, %dma_wait3A_292] : memref<100000x64xf32, #tpu.memory_space<hbm>> -> memref<100000x64xf32, #tpu.memory_space<hbm>>
        tpu.wait_indirect_dma semaphore(%arg10 : memref<!tpu.dma_semaphore, #tpu.memory_space<semaphore_mem>>) src(%dma_wait3A_293 : memref<100000x64xf32, #tpu.memory_space<hbm>>) dst(%dma_wait3A_287 : memref<256x64xf32, #tpu.memory_space<vmem>>)
        %dma_wait3A_294 = arith.constant 0 : i32
        %dma_wait3A_295 = arith.constant 0 : i32
        %dma_wait3A_296 = arith.constant 1 : i32
        %dma_wait3A_297 = arith.constant 0 : i32
        %dma_wait3A_298 = arith.constant 0 : i32
        %dma_wait3A_299 = tpu.memref_slice %arg8[%dma_wait3A_296, %dma_wait3A_297, %dma_wait3A_298] : memref<2x256x64xf32, #tpu.memory_space<vmem>> -> memref<1x256x64xf32, #tpu.memory_space<vmem>>
        %dma_wait3A_300 = tpu.memref_squeeze %dma_wait3A_299 : memref<1x256x64xf32, #tpu.memory_space<vmem>> -> memref<256x64xf32, #tpu.memory_space<vmem>>
        %dma_wait3A_301 = arith.constant 0 : i32
        %dma_wait3A_302 = tpu.memref_slice %arg5[%dma_wait3A_294, %dma_wait3A_295, %dma_wait3A_301] : memref<20x2x256xi32, #tpu.memory_space<vmem>> -> memref<1x1x256xi32, #tpu.memory_space<vmem>>
        %dma_wait3A_303 = tpu.memref_squeeze %dma_wait3A_302 : memref<1x1x256xi32, #tpu.memory_space<vmem>> -> memref<256xi32, #tpu.memory_space<vmem>>
        %dma_wait3A_304 = arith.constant 0 : i32
        %dma_wait3A_305 = arith.constant 0 : i32
        %dma_wait3A_306 = tpu.memref_slice %arg3[%dma_wait3A_304, %dma_wait3A_305] : memref<100000x64xf32, #tpu.memory_space<hbm>> -> memref<100000x64xf32, #tpu.memory_space<hbm>>
        tpu.wait_indirect_dma semaphore(%arg10 : memref<!tpu.dma_semaphore, #tpu.memory_space<semaphore_mem>>) src(%dma_wait3A_306 : memref<100000x64xf32, #tpu.memory_space<hbm>>) dst(%dma_wait3A_300 : memref<256x64xf32, #tpu.memory_space<vmem>>)
        %sub3A = arith.constant 1 : i32
        %sub3A_307 = arith.subi %add3A_224, %sub3A : i32
        %max3A = arith.constant 0 : i32
        %max3A_308 = arith.maxsi %sub3A_307, %max3A : i32
        %dma_start3A_309 = arith.constant 0 : i32
        %dma_start3A_310 = arith.constant 0 : i32
        %dma_start3A_311 = arith.constant 0 : i32
        %dma_start3A_312 = tpu.memref_slice %arg8[%dma_start3A_309, %dma_start3A_310, %dma_start3A_311] : memref<2x256x64xf32, #tpu.memory_space<vmem>> -> memref<1x256x64xf32, #tpu.memory_space<vmem>>
        %dma_start3A_313 = tpu.memref_squeeze %dma_start3A_312 : memref<1x256x64xf32, #tpu.memory_space<vmem>> -> memref<256x64xf32, #tpu.memory_space<vmem>>
        %dma_start3A_314 = arith.constant 0 : i32
        %dma_start3A_315 = tpu.memref_slice %arg4[%max3A_308, %mul3A_2, %dma_start3A_314] : memref<200x8192x128xf32, #tpu.memory_space<hbm>> -> memref<1x256x64xf32, #tpu.memory_space<hbm>>
        %dma_start3A_316 = tpu.memref_squeeze %dma_start3A_315 : memref<1x256x64xf32, #tpu.memory_space<hbm>> -> memref<256x64xf32, #tpu.memory_space<hbm>>
        %dma_start3A_317 = arith.constant 0 : i32
        %dma_start3A_318 = tpu.memref_slice %arg4[%max3A_308, %mul3A_2, %dma_start3A_317] : memref<200x8192x128xf32, #tpu.memory_space<hbm>> -> memref<1x256x64xf32, #tpu.memory_space<hbm>>
        %dma_start3A_319 = tpu.memref_squeeze %dma_start3A_318 : memref<1x256x64xf32, #tpu.memory_space<hbm>> -> memref<256x64xf32, #tpu.memory_space<hbm>>
        %dma_start3A_320 = arith.constant 0 : i32
        %dma_start3A_321 = arith.constant 0 : i32
        %dma_start3A_322 = tpu.memref_slice %arg8[%dma_start3A_309, %dma_start3A_320, %dma_start3A_321] : memref<2x256x64xf32, #tpu.memory_space<vmem>> -> memref<1x256x64xf32, #tpu.memory_space<vmem>>
        %dma_start3A_323 = tpu.memref_squeeze %dma_start3A_322 : memref<1x256x64xf32, #tpu.memory_space<vmem>> -> memref<256x64xf32, #tpu.memory_space<vmem>>
        tpu.enqueue_dma source(%dma_start3A_323 : memref<256x64xf32, #tpu.memory_space<vmem>>) target(%dma_start3A_319 : memref<256x64xf32, #tpu.memory_space<hbm>>) target_semaphore(%arg12 : memref<!tpu.dma_semaphore, #tpu.memory_space<semaphore_mem>>)
        %dma_start3A_324 = arith.constant 1 : i32
        %dma_start3A_325 = arith.constant 0 : i32
        %dma_start3A_326 = arith.constant 0 : i32
        %dma_start3A_327 = tpu.memref_slice %arg8[%dma_start3A_324, %dma_start3A_325, %dma_start3A_326] : memref<2x256x64xf32, #tpu.memory_space<vmem>> -> memref<1x256x64xf32, #tpu.memory_space<vmem>>
        %dma_start3A_328 = tpu.memref_squeeze %dma_start3A_327 : memref<1x256x64xf32, #tpu.memory_space<vmem>> -> memref<256x64xf32, #tpu.memory_space<vmem>>
        %dma_start3A_329 = arith.constant 64 : i32
        %dma_start3A_330 = tpu.memref_slice %arg4[%max3A_308, %mul3A_2, %dma_start3A_329] : memref<200x8192x128xf32, #tpu.memory_space<hbm>> -> memref<1x256x64xf32, #tpu.memory_space<hbm>>
        %dma_start3A_331 = tpu.memref_squeeze %dma_start3A_330 : memref<1x256x64xf32, #tpu.memory_space<hbm>> -> memref<256x64xf32, #tpu.memory_space<hbm>>
        %dma_start3A_332 = arith.constant 64 : i32
        %dma_start3A_333 = tpu.memref_slice %arg4[%max3A_308, %mul3A_2, %dma_start3A_332] : memref<200x8192x128xf32, #tpu.memory_space<hbm>> -> memref<1x256x64xf32, #tpu.memory_space<hbm>>
        %dma_start3A_334 = tpu.memref_squeeze %dma_start3A_333 : memref<1x256x64xf32, #tpu.memory_space<hbm>> -> memref<256x64xf32, #tpu.memory_space<hbm>>
        %dma_start3A_335 = arith.constant 0 : i32
        %dma_start3A_336 = arith.constant 0 : i32
        %dma_start3A_337 = tpu.memref_slice %arg8[%dma_start3A_324, %dma_start3A_335, %dma_start3A_336] : memref<2x256x64xf32, #tpu.memory_space<vmem>> -> memref<1x256x64xf32, #tpu.memory_space<vmem>>
        %dma_start3A_338 = tpu.memref_squeeze %dma_start3A_337 : memref<1x256x64xf32, #tpu.memory_space<vmem>> -> memref<256x64xf32, #tpu.memory_space<vmem>>
        tpu.enqueue_dma source(%dma_start3A_338 : memref<256x64xf32, #tpu.memory_space<vmem>>) target(%dma_start3A_334 : memref<256x64xf32, #tpu.memory_space<hbm>>) target_semaphore(%arg12 : memref<!tpu.dma_semaphore, #tpu.memory_space<semaphore_mem>>)
        %mul3A_339 = arith.constant 2 : i32
        %mul3A_340 = arith.muli %mul3A_339, %scan3A_216 : i32
        %add3A_341 = arith.constant 1 : i32
        %add3A_342 = arith.addi %mul3A_340, %add3A_341 : i32
        %mul3A_343 = arith.constant 20 : i32
        %mul3A_344 = arith.muli %add3A_192, %mul3A_343 : i32
        %add3A_345 = arith.addi %mul3A_344, %add3A_342 : i32
        %dma_wait3A_346 = arith.constant 0 : i32
        %dma_wait3A_347 = arith.constant 0 : i32
        %dma_wait3A_348 = arith.constant 0 : i32
        %dma_wait3A_349 = arith.constant 0 : i32
        %dma_wait3A_350 = tpu.memref_slice %arg8[%dma_wait3A_346, %dma_wait3A_348, %dma_wait3A_349] : memref<2x256x64xf32, #tpu.memory_space<vmem>> -> memref<1x256x64xf32, #tpu.memory_space<vmem>>
        %dma_wait3A_351 = tpu.memref_squeeze %dma_wait3A_350 : memref<1x256x64xf32, #tpu.memory_space<vmem>> -> memref<256x64xf32, #tpu.memory_space<vmem>>
        %dma_wait3A_352 = arith.constant 0 : i32
        %dma_wait3A_353 = tpu.memref_slice %arg4[%dma_wait3A_347, %mul3A_2, %dma_wait3A_352] : memref<200x8192x128xf32, #tpu.memory_space<hbm>> -> memref<1x256x64xf32, #tpu.memory_space<hbm>>
        %dma_wait3A_354 = tpu.memref_squeeze %dma_wait3A_353 : memref<1x256x64xf32, #tpu.memory_space<hbm>> -> memref<256x64xf32, #tpu.memory_space<hbm>>
        %dma_wait3A_355 = arith.constant 0 : i32
        %dma_wait3A_356 = tpu.memref_slice %arg4[%dma_wait3A_347, %mul3A_2, %dma_wait3A_355] : memref<200x8192x128xf32, #tpu.memory_space<hbm>> -> memref<1x256x64xf32, #tpu.memory_space<hbm>>
        %dma_wait3A_357 = tpu.memref_squeeze %dma_wait3A_356 : memref<1x256x64xf32, #tpu.memory_space<hbm>> -> memref<256x64xf32, #tpu.memory_space<hbm>>
        %dma_wait3A_358 = arith.constant 0 : i32
        %dma_wait3A_359 = arith.constant 0 : i32
        %dma_wait3A_360 = tpu.memref_slice %arg8[%dma_wait3A_346, %dma_wait3A_358, %dma_wait3A_359] : memref<2x256x64xf32, #tpu.memory_space<vmem>> -> memref<1x256x64xf32, #tpu.memory_space<vmem>>
        %dma_wait3A_361 = tpu.memref_squeeze %dma_wait3A_360 : memref<1x256x64xf32, #tpu.memory_space<vmem>> -> memref<256x64xf32, #tpu.memory_space<vmem>>
        tpu.wait_dma2 semaphore(%arg12 : memref<!tpu.dma_semaphore, #tpu.memory_space<semaphore_mem>>) src(%dma_wait3A_361 : memref<256x64xf32, #tpu.memory_space<vmem>>) dst(%dma_wait3A_357 : memref<256x64xf32, #tpu.memory_space<hbm>>)
        %dma_wait3A_362 = arith.constant 1 : i32
        %dma_wait3A_363 = arith.constant 0 : i32
        %dma_wait3A_364 = arith.constant 0 : i32
        %dma_wait3A_365 = arith.constant 0 : i32
        %dma_wait3A_366 = tpu.memref_slice %arg8[%dma_wait3A_362, %dma_wait3A_364, %dma_wait3A_365] : memref<2x256x64xf32, #tpu.memory_space<vmem>> -> memref<1x256x64xf32, #tpu.memory_space<vmem>>
        %dma_wait3A_367 = tpu.memref_squeeze %dma_wait3A_366 : memref<1x256x64xf32, #tpu.memory_space<vmem>> -> memref<256x64xf32, #tpu.memory_space<vmem>>
        %dma_wait3A_368 = arith.constant 64 : i32
        %dma_wait3A_369 = tpu.memref_slice %arg4[%dma_wait3A_363, %mul3A_2, %dma_wait3A_368] : memref<200x8192x128xf32, #tpu.memory_space<hbm>> -> memref<1x256x64xf32, #tpu.memory_space<hbm>>
        %dma_wait3A_370 = tpu.memref_squeeze %dma_wait3A_369 : memref<1x256x64xf32, #tpu.memory_space<hbm>> -> memref<256x64xf32, #tpu.memory_space<hbm>>
        %dma_wait3A_371 = arith.constant 64 : i32
        %dma_wait3A_372 = tpu.memref_slice %arg4[%dma_wait3A_363, %mul3A_2, %dma_wait3A_371] : memref<200x8192x128xf32, #tpu.memory_space<hbm>> -> memref<1x256x64xf32, #tpu.memory_space<hbm>>
        %dma_wait3A_373 = tpu.memref_squeeze %dma_wait3A_372 : memref<1x256x64xf32, #tpu.memory_space<hbm>> -> memref<256x64xf32, #tpu.memory_space<hbm>>
        %dma_wait3A_374 = arith.constant 0 : i32
        %dma_wait3A_375 = arith.constant 0 : i32
        %dma_wait3A_376 = tpu.memref_slice %arg8[%dma_wait3A_362, %dma_wait3A_374, %dma_wait3A_375] : memref<2x256x64xf32, #tpu.memory_space<vmem>> -> memref<1x256x64xf32, #tpu.memory_space<vmem>>
        %dma_wait3A_377 = tpu.memref_squeeze %dma_wait3A_376 : memref<1x256x64xf32, #tpu.memory_space<vmem>> -> memref<256x64xf32, #tpu.memory_space<vmem>>
        tpu.wait_dma2 semaphore(%arg12 : memref<!tpu.dma_semaphore, #tpu.memory_space<semaphore_mem>>) src(%dma_wait3A_377 : memref<256x64xf32, #tpu.memory_space<vmem>>) dst(%dma_wait3A_373 : memref<256x64xf32, #tpu.memory_space<hbm>>)
        %dma_start3A_378 = arith.constant 0 : i32
        %dma_start3A_379 = arith.constant 0 : i32
        %dma_start3A_380 = arith.constant 0 : i32
        %dma_start3A_381 = arith.constant 0 : i32
        %dma_start3A_382 = tpu.memref_slice %arg8[%dma_start3A_379, %dma_start3A_380, %dma_start3A_381] : memref<2x256x64xf32, #tpu.memory_space<vmem>> -> memref<1x256x64xf32, #tpu.memory_space<vmem>>
        %dma_start3A_383 = tpu.memref_squeeze %dma_start3A_382 : memref<1x256x64xf32, #tpu.memory_space<vmem>> -> memref<256x64xf32, #tpu.memory_space<vmem>>
        %dma_start3A_384 = arith.constant 0 : i32
        %dma_start3A_385 = tpu.memref_slice %arg5[%add3A_342, %dma_start3A_378, %dma_start3A_384] : memref<20x2x256xi32, #tpu.memory_space<vmem>> -> memref<1x1x256xi32, #tpu.memory_space<vmem>>
        %dma_start3A_386 = tpu.memref_squeeze %dma_start3A_385 : memref<1x1x256xi32, #tpu.memory_space<vmem>> -> memref<256xi32, #tpu.memory_space<vmem>>
        %dma_start3A_387 = arith.constant 0 : i32
        %dma_start3A_388 = arith.constant 0 : i32
        %dma_start3A_389 = tpu.memref_slice %arg3[%dma_start3A_387, %dma_start3A_388] : memref<100000x64xf32, #tpu.memory_space<hbm>> -> memref<100000x64xf32, #tpu.memory_space<hbm>>
        tpu.enqueue_indirect_dma source(%dma_start3A_389 : memref<100000x64xf32, #tpu.memory_space<hbm>>) target(%dma_start3A_383 : memref<256x64xf32, #tpu.memory_space<vmem>>) offsets(%dma_start3A_386 : memref<256xi32, #tpu.memory_space<vmem>>) semaphore(%arg10 : memref<!tpu.dma_semaphore, #tpu.memory_space<semaphore_mem>>)
        %dma_start3A_390 = arith.constant 1 : i32
        %dma_start3A_391 = arith.constant 1 : i32
        %dma_start3A_392 = arith.constant 0 : i32
        %dma_start3A_393 = arith.constant 0 : i32
        %dma_start3A_394 = tpu.memref_slice %arg8[%dma_start3A_391, %dma_start3A_392, %dma_start3A_393] : memref<2x256x64xf32, #tpu.memory_space<vmem>> -> memref<1x256x64xf32, #tpu.memory_space<vmem>>
        %dma_start3A_395 = tpu.memref_squeeze %dma_start3A_394 : memref<1x256x64xf32, #tpu.memory_space<vmem>> -> memref<256x64xf32, #tpu.memory_space<vmem>>
        %dma_start3A_396 = arith.constant 0 : i32
        %dma_start3A_397 = tpu.memref_slice %arg5[%add3A_342, %dma_start3A_390, %dma_start3A_396] : memref<20x2x256xi32, #tpu.memory_space<vmem>> -> memref<1x1x256xi32, #tpu.memory_space<vmem>>
        %dma_start3A_398 = tpu.memref_squeeze %dma_start3A_397 : memref<1x1x256xi32, #tpu.memory_space<vmem>> -> memref<256xi32, #tpu.memory_space<vmem>>
        %dma_start3A_399 = arith.constant 0 : i32
        %dma_start3A_400 = arith.constant 0 : i32
        %dma_start3A_401 = tpu.memref_slice %arg3[%dma_start3A_399, %dma_start3A_400] : memref<100000x64xf32, #tpu.memory_space<hbm>> -> memref<100000x64xf32, #tpu.memory_space<hbm>>
        tpu.enqueue_indirect_dma source(%dma_start3A_401 : memref<100000x64xf32, #tpu.memory_space<hbm>>) target(%dma_start3A_395 : memref<256x64xf32, #tpu.memory_space<vmem>>) offsets(%dma_start3A_398 : memref<256xi32, #tpu.memory_space<vmem>>) semaphore(%arg10 : memref<!tpu.dma_semaphore, #tpu.memory_space<semaphore_mem>>)
        %dma_wait3A_402 = arith.constant 0 : i32
        %dma_wait3A_403 = arith.constant 0 : i32
        %dma_wait3A_404 = arith.constant 0 : i32
        %dma_wait3A_405 = arith.constant 0 : i32
        %dma_wait3A_406 = arith.constant 0 : i32
        %dma_wait3A_407 = tpu.memref_slice %arg7[%dma_wait3A_404, %dma_wait3A_405, %dma_wait3A_406] : memref<2x256x64xf32, #tpu.memory_space<vmem>> -> memref<1x256x64xf32, #tpu.memory_space<vmem>>
        %dma_wait3A_408 = tpu.memref_squeeze %dma_wait3A_407 : memref<1x256x64xf32, #tpu.memory_space<vmem>> -> memref<256x64xf32, #tpu.memory_space<vmem>>
        %dma_wait3A_409 = arith.constant 0 : i32
        %dma_wait3A_410 = tpu.memref_slice %arg5[%dma_wait3A_402, %dma_wait3A_403, %dma_wait3A_409] : memref<20x2x256xi32, #tpu.memory_space<vmem>> -> memref<1x1x256xi32, #tpu.memory_space<vmem>>
        %dma_wait3A_411 = tpu.memref_squeeze %dma_wait3A_410 : memref<1x1x256xi32, #tpu.memory_space<vmem>> -> memref<256xi32, #tpu.memory_space<vmem>>
        %dma_wait3A_412 = arith.constant 0 : i32
        %dma_wait3A_413 = arith.constant 0 : i32
        %dma_wait3A_414 = tpu.memref_slice %arg3[%dma_wait3A_412, %dma_wait3A_413] : memref<100000x64xf32, #tpu.memory_space<hbm>> -> memref<100000x64xf32, #tpu.memory_space<hbm>>
        tpu.wait_indirect_dma semaphore(%arg9 : memref<!tpu.dma_semaphore, #tpu.memory_space<semaphore_mem>>) src(%dma_wait3A_414 : memref<100000x64xf32, #tpu.memory_space<hbm>>) dst(%dma_wait3A_408 : memref<256x64xf32, #tpu.memory_space<vmem>>)
        %dma_wait3A_415 = arith.constant 0 : i32
        %dma_wait3A_416 = arith.constant 0 : i32
        %dma_wait3A_417 = arith.constant 1 : i32
        %dma_wait3A_418 = arith.constant 0 : i32
        %dma_wait3A_419 = arith.constant 0 : i32
        %dma_wait3A_420 = tpu.memref_slice %arg7[%dma_wait3A_417, %dma_wait3A_418, %dma_wait3A_419] : memref<2x256x64xf32, #tpu.memory_space<vmem>> -> memref<1x256x64xf32, #tpu.memory_space<vmem>>
        %dma_wait3A_421 = tpu.memref_squeeze %dma_wait3A_420 : memref<1x256x64xf32, #tpu.memory_space<vmem>> -> memref<256x64xf32, #tpu.memory_space<vmem>>
        %dma_wait3A_422 = arith.constant 0 : i32
        %dma_wait3A_423 = tpu.memref_slice %arg5[%dma_wait3A_415, %dma_wait3A_416, %dma_wait3A_422] : memref<20x2x256xi32, #tpu.memory_space<vmem>> -> memref<1x1x256xi32, #tpu.memory_space<vmem>>
        %dma_wait3A_424 = tpu.memref_squeeze %dma_wait3A_423 : memref<1x1x256xi32, #tpu.memory_space<vmem>> -> memref<256xi32, #tpu.memory_space<vmem>>
        %dma_wait3A_425 = arith.constant 0 : i32
        %dma_wait3A_426 = arith.constant 0 : i32
        %dma_wait3A_427 = tpu.memref_slice %arg3[%dma_wait3A_425, %dma_wait3A_426] : memref<100000x64xf32, #tpu.memory_space<hbm>> -> memref<100000x64xf32, #tpu.memory_space<hbm>>
        tpu.wait_indirect_dma semaphore(%arg9 : memref<!tpu.dma_semaphore, #tpu.memory_space<semaphore_mem>>) src(%dma_wait3A_427 : memref<100000x64xf32, #tpu.memory_space<hbm>>) dst(%dma_wait3A_421 : memref<256x64xf32, #tpu.memory_space<vmem>>)
        %sub3A_428 = arith.constant 1 : i32
        %sub3A_429 = arith.subi %add3A_345, %sub3A_428 : i32
        %max3A_430 = arith.constant 0 : i32
        %max3A_431 = arith.maxsi %sub3A_429, %max3A_430 : i32
        %dma_start3A_432 = arith.constant 0 : i32
        %dma_start3A_433 = arith.constant 0 : i32
        %dma_start3A_434 = arith.constant 0 : i32
        %dma_start3A_435 = tpu.memref_slice %arg7[%dma_start3A_432, %dma_start3A_433, %dma_start3A_434] : memref<2x256x64xf32, #tpu.memory_space<vmem>> -> memref<1x256x64xf32, #tpu.memory_space<vmem>>
        %dma_start3A_436 = tpu.memref_squeeze %dma_start3A_435 : memref<1x256x64xf32, #tpu.memory_space<vmem>> -> memref<256x64xf32, #tpu.memory_space<vmem>>
        %dma_start3A_437 = arith.constant 0 : i32
        %dma_start3A_438 = tpu.memref_slice %arg4[%max3A_431, %mul3A_2, %dma_start3A_437] : memref<200x8192x128xf32, #tpu.memory_space<hbm>> -> memref<1x256x64xf32, #tpu.memory_space<hbm>>
        %dma_start3A_439 = tpu.memref_squeeze %dma_start3A_438 : memref<1x256x64xf32, #tpu.memory_space<hbm>> -> memref<256x64xf32, #tpu.memory_space<hbm>>
        %dma_start3A_440 = arith.constant 0 : i32
        %dma_start3A_441 = tpu.memref_slice %arg4[%max3A_431, %mul3A_2, %dma_start3A_440] : memref<200x8192x128xf32, #tpu.memory_space<hbm>> -> memref<1x256x64xf32, #tpu.memory_space<hbm>>
        %dma_start3A_442 = tpu.memref_squeeze %dma_start3A_441 : memref<1x256x64xf32, #tpu.memory_space<hbm>> -> memref<256x64xf32, #tpu.memory_space<hbm>>
        %dma_start3A_443 = arith.constant 0 : i32
        %dma_start3A_444 = arith.constant 0 : i32
        %dma_start3A_445 = tpu.memref_slice %arg7[%dma_start3A_432, %dma_start3A_443, %dma_start3A_444] : memref<2x256x64xf32, #tpu.memory_space<vmem>> -> memref<1x256x64xf32, #tpu.memory_space<vmem>>
        %dma_start3A_446 = tpu.memref_squeeze %dma_start3A_445 : memref<1x256x64xf32, #tpu.memory_space<vmem>> -> memref<256x64xf32, #tpu.memory_space<vmem>>
        tpu.enqueue_dma source(%dma_start3A_446 : memref<256x64xf32, #tpu.memory_space<vmem>>) target(%dma_start3A_442 : memref<256x64xf32, #tpu.memory_space<hbm>>) target_semaphore(%arg11 : memref<!tpu.dma_semaphore, #tpu.memory_space<semaphore_mem>>)
        %dma_start3A_447 = arith.constant 1 : i32
        %dma_start3A_448 = arith.constant 0 : i32
        %dma_start3A_449 = arith.constant 0 : i32
        %dma_start3A_450 = tpu.memref_slice %arg7[%dma_start3A_447, %dma_start3A_448, %dma_start3A_449] : memref<2x256x64xf32, #tpu.memory_space<vmem>> -> memref<1x256x64xf32, #tpu.memory_space<vmem>>
        %dma_start3A_451 = tpu.memref_squeeze %dma_start3A_450 : memref<1x256x64xf32, #tpu.memory_space<vmem>> -> memref<256x64xf32, #tpu.memory_space<vmem>>
        %dma_start3A_452 = arith.constant 64 : i32
        %dma_start3A_453 = tpu.memref_slice %arg4[%max3A_431, %mul3A_2, %dma_start3A_452] : memref<200x8192x128xf32, #tpu.memory_space<hbm>> -> memref<1x256x64xf32, #tpu.memory_space<hbm>>
        %dma_start3A_454 = tpu.memref_squeeze %dma_start3A_453 : memref<1x256x64xf32, #tpu.memory_space<hbm>> -> memref<256x64xf32, #tpu.memory_space<hbm>>
        %dma_start3A_455 = arith.constant 64 : i32
        %dma_start3A_456 = tpu.memref_slice %arg4[%max3A_431, %mul3A_2, %dma_start3A_455] : memref<200x8192x128xf32, #tpu.memory_space<hbm>> -> memref<1x256x64xf32, #tpu.memory_space<hbm>>
        %dma_start3A_457 = tpu.memref_squeeze %dma_start3A_456 : memref<1x256x64xf32, #tpu.memory_space<hbm>> -> memref<256x64xf32, #tpu.memory_space<hbm>>
        %dma_start3A_458 = arith.constant 0 : i32
        %dma_start3A_459 = arith.constant 0 : i32
        %dma_start3A_460 = tpu.memref_slice %arg7[%dma_start3A_447, %dma_start3A_458, %dma_start3A_459] : memref<2x256x64xf32, #tpu.memory_space<vmem>> -> memref<1x256x64xf32, #tpu.memory_space<vmem>>
        %dma_start3A_461 = tpu.memref_squeeze %dma_start3A_460 : memref<1x256x64xf32, #tpu.memory_space<vmem>> -> memref<256x64xf32, #tpu.memory_space<vmem>>
        tpu.enqueue_dma source(%dma_start3A_461 : memref<256x64xf32, #tpu.memory_space<vmem>>) target(%dma_start3A_457 : memref<256x64xf32, #tpu.memory_space<hbm>>) target_semaphore(%arg11 : memref<!tpu.dma_semaphore, #tpu.memory_space<semaphore_mem>>)
        %scan3A_462 = arith.constant 0 : i32
        scf.yield %scan3A_462 : i32
      }
      %scan3A_201 = arith.constant 10 : i32
      %mul3A_202 = arith.constant 2 : i32
      %mul3A_203 = arith.muli %mul3A_202, %scan3A_187 : i32
      %add3A_204 = arith.constant 1 : i32
      %add3A_205 = arith.addi %mul3A_203, %add3A_204 : i32
      %mul3A_206 = arith.constant 20 : i32
      %mul3A_207 = arith.muli %add3A_205, %mul3A_206 : i32
      "tpu.region"() ({
        %run_scoped3A = tpu.sem_alloc : memref<!tpu.dma_semaphore, #tpu.memory_space<semaphore_mem>>
        %dma_start3A_216 = arith.constant 0 : i32
        %dma_start3A_217 = tpu.memref_slice %arg2[%mul3A_207, %dma_start3A_216, %mul3A_2] : memref<200x2x8192xi32, #tpu.memory_space<hbm>> -> memref<20x2x256xi32, #tpu.memory_space<hbm>>
        %dma_start3A_218 = arith.constant 0 : i32
        %dma_start3A_219 = tpu.memref_slice %arg2[%mul3A_207, %dma_start3A_218, %mul3A_2] : memref<200x2x8192xi32, #tpu.memory_space<hbm>> -> memref<20x2x256xi32, #tpu.memory_space<hbm>>
        tpu.enqueue_dma source(%dma_start3A_219 : memref<20x2x256xi32, #tpu.memory_space<hbm>>) target(%arg6 : memref<20x2x256xi32, #tpu.memory_space<vmem>>) target_semaphore(%run_scoped3A : memref<!tpu.dma_semaphore, #tpu.memory_space<semaphore_mem>>)
        %dma_wait3A_220 = arith.constant 0 : i32
        %dma_wait3A_221 = tpu.memref_slice %arg2[%mul3A_207, %dma_wait3A_220, %mul3A_2] : memref<200x2x8192xi32, #tpu.memory_space<hbm>> -> memref<20x2x256xi32, #tpu.memory_space<hbm>>
        %dma_wait3A_222 = arith.constant 0 : i32
        %dma_wait3A_223 = tpu.memref_slice %arg2[%mul3A_207, %dma_wait3A_222, %mul3A_2] : memref<200x2x8192xi32, #tpu.memory_space<hbm>> -> memref<20x2x256xi32, #tpu.memory_space<hbm>>
        tpu.wait_dma2 semaphore(%run_scoped3A : memref<!tpu.dma_semaphore, #tpu.memory_space<semaphore_mem>>) src(%dma_wait3A_223 : memref<20x2x256xi32, #tpu.memory_space<hbm>>) dst(%arg6 : memref<20x2x256xi32, #tpu.memory_space<vmem>>)
        tpu.yield
      }) : () -> ()
      %scan3A_208 = arith.constant 0 : i32
      %scan3A_209 = arith.constant 0 : i32
      %scan3A_210 = arith.constant 10 : i32
      %scan3A_211 = arith.addi %scan3A_209, %scan3A_210 : i32
      %scan3A_212 = arith.constant 1 : i32
      %scan3A_213 = scf.for %scan3A_216 = %scan3A_209 to %scan3A_211 step %scan3A_212 iter_args(%scan3A_217 = %scan3A_208) -> (i32)  : i32 {
        %mul3A_218 = arith.constant 2 : i32
        %mul3A_219 = arith.muli %mul3A_218, %scan3A_216 : i32
        %add3A_220 = arith.constant 0 : i32
        %add3A_221 = arith.addi %mul3A_219, %add3A_220 : i32
        %mul3A_222 = arith.constant 20 : i32
        %mul3A_223 = arith.muli %add3A_205, %mul3A_222 : i32
        %add3A_224 = arith.addi %mul3A_223, %add3A_221 : i32
        %dma_wait3A_225 = arith.constant 0 : i32
        %dma_wait3A_226 = arith.constant 0 : i32
        %dma_wait3A_227 = arith.constant 0 : i32
        %dma_wait3A_228 = arith.constant 0 : i32
        %dma_wait3A_229 = tpu.memref_slice %arg7[%dma_wait3A_225, %dma_wait3A_227, %dma_wait3A_228] : memref<2x256x64xf32, #tpu.memory_space<vmem>> -> memref<1x256x64xf32, #tpu.memory_space<vmem>>
        %dma_wait3A_230 = tpu.memref_squeeze %dma_wait3A_229 : memref<1x256x64xf32, #tpu.memory_space<vmem>> -> memref<256x64xf32, #tpu.memory_space<vmem>>
        %dma_wait3A_231 = arith.constant 0 : i32
        %dma_wait3A_232 = tpu.memref_slice %arg4[%dma_wait3A_226, %mul3A_2, %dma_wait3A_231] : memref<200x8192x128xf32, #tpu.memory_space<hbm>> -> memref<1x256x64xf32, #tpu.memory_space<hbm>>
        %dma_wait3A_233 = tpu.memref_squeeze %dma_wait3A_232 : memref<1x256x64xf32, #tpu.memory_space<hbm>> -> memref<256x64xf32, #tpu.memory_space<hbm>>
        %dma_wait3A_234 = arith.constant 0 : i32
        %dma_wait3A_235 = tpu.memref_slice %arg4[%dma_wait3A_226, %mul3A_2, %dma_wait3A_234] : memref<200x8192x128xf32, #tpu.memory_space<hbm>> -> memref<1x256x64xf32, #tpu.memory_space<hbm>>
        %dma_wait3A_236 = tpu.memref_squeeze %dma_wait3A_235 : memref<1x256x64xf32, #tpu.memory_space<hbm>> -> memref<256x64xf32, #tpu.memory_space<hbm>>
        %dma_wait3A_237 = arith.constant 0 : i32
        %dma_wait3A_238 = arith.constant 0 : i32
        %dma_wait3A_239 = tpu.memref_slice %arg7[%dma_wait3A_225, %dma_wait3A_237, %dma_wait3A_238] : memref<2x256x64xf32, #tpu.memory_space<vmem>> -> memref<1x256x64xf32, #tpu.memory_space<vmem>>
        %dma_wait3A_240 = tpu.memref_squeeze %dma_wait3A_239 : memref<1x256x64xf32, #tpu.memory_space<vmem>> -> memref<256x64xf32, #tpu.memory_space<vmem>>
        tpu.wait_dma2 semaphore(%arg11 : memref<!tpu.dma_semaphore, #tpu.memory_space<semaphore_mem>>) src(%dma_wait3A_240 : memref<256x64xf32, #tpu.memory_space<vmem>>) dst(%dma_wait3A_236 : memref<256x64xf32, #tpu.memory_space<hbm>>)
        %dma_wait3A_241 = arith.constant 1 : i32
        %dma_wait3A_242 = arith.constant 0 : i32
        %dma_wait3A_243 = arith.constant 0 : i32
        %dma_wait3A_244 = arith.constant 0 : i32
        %dma_wait3A_245 = tpu.memref_slice %arg7[%dma_wait3A_241, %dma_wait3A_243, %dma_wait3A_244] : memref<2x256x64xf32, #tpu.memory_space<vmem>> -> memref<1x256x64xf32, #tpu.memory_space<vmem>>
        %dma_wait3A_246 = tpu.memref_squeeze %dma_wait3A_245 : memref<1x256x64xf32, #tpu.memory_space<vmem>> -> memref<256x64xf32, #tpu.memory_space<vmem>>
        %dma_wait3A_247 = arith.constant 64 : i32
        %dma_wait3A_248 = tpu.memref_slice %arg4[%dma_wait3A_242, %mul3A_2, %dma_wait3A_247] : memref<200x8192x128xf32, #tpu.memory_space<hbm>> -> memref<1x256x64xf32, #tpu.memory_space<hbm>>
        %dma_wait3A_249 = tpu.memref_squeeze %dma_wait3A_248 : memref<1x256x64xf32, #tpu.memory_space<hbm>> -> memref<256x64xf32, #tpu.memory_space<hbm>>
        %dma_wait3A_250 = arith.constant 64 : i32
        %dma_wait3A_251 = tpu.memref_slice %arg4[%dma_wait3A_242, %mul3A_2, %dma_wait3A_250] : memref<200x8192x128xf32, #tpu.memory_space<hbm>> -> memref<1x256x64xf32, #tpu.memory_space<hbm>>
        %dma_wait3A_252 = tpu.memref_squeeze %dma_wait3A_251 : memref<1x256x64xf32, #tpu.memory_space<hbm>> -> memref<256x64xf32, #tpu.memory_space<hbm>>
        %dma_wait3A_253 = arith.constant 0 : i32
        %dma_wait3A_254 = arith.constant 0 : i32
        %dma_wait3A_255 = tpu.memref_slice %arg7[%dma_wait3A_241, %dma_wait3A_253, %dma_wait3A_254] : memref<2x256x64xf32, #tpu.memory_space<vmem>> -> memref<1x256x64xf32, #tpu.memory_space<vmem>>
        %dma_wait3A_256 = tpu.memref_squeeze %dma_wait3A_255 : memref<1x256x64xf32, #tpu.memory_space<vmem>> -> memref<256x64xf32, #tpu.memory_space<vmem>>
        tpu.wait_dma2 semaphore(%arg11 : memref<!tpu.dma_semaphore, #tpu.memory_space<semaphore_mem>>) src(%dma_wait3A_256 : memref<256x64xf32, #tpu.memory_space<vmem>>) dst(%dma_wait3A_252 : memref<256x64xf32, #tpu.memory_space<hbm>>)
        %dma_start3A_257 = arith.constant 0 : i32
        %dma_start3A_258 = arith.constant 0 : i32
        %dma_start3A_259 = arith.constant 0 : i32
        %dma_start3A_260 = arith.constant 0 : i32
        %dma_start3A_261 = tpu.memref_slice %arg7[%dma_start3A_258, %dma_start3A_259, %dma_start3A_260] : memref<2x256x64xf32, #tpu.memory_space<vmem>> -> memref<1x256x64xf32, #tpu.memory_space<vmem>>
        %dma_start3A_262 = tpu.memref_squeeze %dma_start3A_261 : memref<1x256x64xf32, #tpu.memory_space<vmem>> -> memref<256x64xf32, #tpu.memory_space<vmem>>
        %dma_start3A_263 = arith.constant 0 : i32
        %dma_start3A_264 = tpu.memref_slice %arg6[%add3A_221, %dma_start3A_257, %dma_start3A_263] : memref<20x2x256xi32, #tpu.memory_space<vmem>> -> memref<1x1x256xi32, #tpu.memory_space<vmem>>
        %dma_start3A_265 = tpu.memref_squeeze %dma_start3A_264 : memref<1x1x256xi32, #tpu.memory_space<vmem>> -> memref<256xi32, #tpu.memory_space<vmem>>
        %dma_start3A_266 = arith.constant 0 : i32
        %dma_start3A_267 = arith.constant 0 : i32
        %dma_start3A_268 = tpu.memref_slice %arg3[%dma_start3A_266, %dma_start3A_267] : memref<100000x64xf32, #tpu.memory_space<hbm>> -> memref<100000x64xf32, #tpu.memory_space<hbm>>
        tpu.enqueue_indirect_dma source(%dma_start3A_268 : memref<100000x64xf32, #tpu.memory_space<hbm>>) target(%dma_start3A_262 : memref<256x64xf32, #tpu.memory_space<vmem>>) offsets(%dma_start3A_265 : memref<256xi32, #tpu.memory_space<vmem>>) semaphore(%arg9 : memref<!tpu.dma_semaphore, #tpu.memory_space<semaphore_mem>>)
        %dma_start3A_269 = arith.constant 1 : i32
        %dma_start3A_270 = arith.constant 1 : i32
        %dma_start3A_271 = arith.constant 0 : i32
        %dma_start3A_272 = arith.constant 0 : i32
        %dma_start3A_273 = tpu.memref_slice %arg7[%dma_start3A_270, %dma_start3A_271, %dma_start3A_272] : memref<2x256x64xf32, #tpu.memory_space<vmem>> -> memref<1x256x64xf32, #tpu.memory_space<vmem>>
        %dma_start3A_274 = tpu.memref_squeeze %dma_start3A_273 : memref<1x256x64xf32, #tpu.memory_space<vmem>> -> memref<256x64xf32, #tpu.memory_space<vmem>>
        %dma_start3A_275 = arith.constant 0 : i32
        %dma_start3A_276 = tpu.memref_slice %arg6[%add3A_221, %dma_start3A_269, %dma_start3A_275] : memref<20x2x256xi32, #tpu.memory_space<vmem>> -> memref<1x1x256xi32, #tpu.memory_space<vmem>>
        %dma_start3A_277 = tpu.memref_squeeze %dma_start3A_276 : memref<1x1x256xi32, #tpu.memory_space<vmem>> -> memref<256xi32, #tpu.memory_space<vmem>>
        %dma_start3A_278 = arith.constant 0 : i32
        %dma_start3A_279 = arith.constant 0 : i32
        %dma_start3A_280 = tpu.memref_slice %arg3[%dma_start3A_278, %dma_start3A_279] : memref<100000x64xf32, #tpu.memory_space<hbm>> -> memref<100000x64xf32, #tpu.memory_space<hbm>>
        tpu.enqueue_indirect_dma source(%dma_start3A_280 : memref<100000x64xf32, #tpu.memory_space<hbm>>) target(%dma_start3A_274 : memref<256x64xf32, #tpu.memory_space<vmem>>) offsets(%dma_start3A_277 : memref<256xi32, #tpu.memory_space<vmem>>) semaphore(%arg9 : memref<!tpu.dma_semaphore, #tpu.memory_space<semaphore_mem>>)
        %dma_wait3A_281 = arith.constant 0 : i32
        %dma_wait3A_282 = arith.constant 0 : i32
        %dma_wait3A_283 = arith.constant 0 : i32
        %dma_wait3A_284 = arith.constant 0 : i32
        %dma_wait3A_285 = arith.constant 0 : i32
        %dma_wait3A_286 = tpu.memref_slice %arg8[%dma_wait3A_283, %dma_wait3A_284, %dma_wait3A_285] : memref<2x256x64xf32, #tpu.memory_space<vmem>> -> memref<1x256x64xf32, #tpu.memory_space<vmem>>
        %dma_wait3A_287 = tpu.memref_squeeze %dma_wait3A_286 : memref<1x256x64xf32, #tpu.memory_space<vmem>> -> memref<256x64xf32, #tpu.memory_space<vmem>>
        %dma_wait3A_288 = arith.constant 0 : i32
        %dma_wait3A_289 = tpu.memref_slice %arg5[%dma_wait3A_281, %dma_wait3A_282, %dma_wait3A_288] : memref<20x2x256xi32, #tpu.memory_space<vmem>> -> memref<1x1x256xi32, #tpu.memory_space<vmem>>
        %dma_wait3A_290 = tpu.memref_squeeze %dma_wait3A_289 : memref<1x1x256xi32, #tpu.memory_space<vmem>> -> memref<256xi32, #tpu.memory_space<vmem>>
        %dma_wait3A_291 = arith.constant 0 : i32
        %dma_wait3A_292 = arith.constant 0 : i32
        %dma_wait3A_293 = tpu.memref_slice %arg3[%dma_wait3A_291, %dma_wait3A_292] : memref<100000x64xf32, #tpu.memory_space<hbm>> -> memref<100000x64xf32, #tpu.memory_space<hbm>>
        tpu.wait_indirect_dma semaphore(%arg10 : memref<!tpu.dma_semaphore, #tpu.memory_space<semaphore_mem>>) src(%dma_wait3A_293 : memref<100000x64xf32, #tpu.memory_space<hbm>>) dst(%dma_wait3A_287 : memref<256x64xf32, #tpu.memory_space<vmem>>)
        %dma_wait3A_294 = arith.constant 0 : i32
        %dma_wait3A_295 = arith.constant 0 : i32
        %dma_wait3A_296 = arith.constant 1 : i32
        %dma_wait3A_297 = arith.constant 0 : i32
        %dma_wait3A_298 = arith.constant 0 : i32
        %dma_wait3A_299 = tpu.memref_slice %arg8[%dma_wait3A_296, %dma_wait3A_297, %dma_wait3A_298] : memref<2x256x64xf32, #tpu.memory_space<vmem>> -> memref<1x256x64xf32, #tpu.memory_space<vmem>>
        %dma_wait3A_300 = tpu.memref_squeeze %dma_wait3A_299 : memref<1x256x64xf32, #tpu.memory_space<vmem>> -> memref<256x64xf32, #tpu.memory_space<vmem>>
        %dma_wait3A_301 = arith.constant 0 : i32
        %dma_wait3A_302 = tpu.memref_slice %arg5[%dma_wait3A_294, %dma_wait3A_295, %dma_wait3A_301] : memref<20x2x256xi32, #tpu.memory_space<vmem>> -> memref<1x1x256xi32, #tpu.memory_space<vmem>>
        %dma_wait3A_303 = tpu.memref_squeeze %dma_wait3A_302 : memref<1x1x256xi32, #tpu.memory_space<vmem>> -> memref<256xi32, #tpu.memory_space<vmem>>
        %dma_wait3A_304 = arith.constant 0 : i32
        %dma_wait3A_305 = arith.constant 0 : i32
        %dma_wait3A_306 = tpu.memref_slice %arg3[%dma_wait3A_304, %dma_wait3A_305] : memref<100000x64xf32, #tpu.memory_space<hbm>> -> memref<100000x64xf32, #tpu.memory_space<hbm>>
        tpu.wait_indirect_dma semaphore(%arg10 : memref<!tpu.dma_semaphore, #tpu.memory_space<semaphore_mem>>) src(%dma_wait3A_306 : memref<100000x64xf32, #tpu.memory_space<hbm>>) dst(%dma_wait3A_300 : memref<256x64xf32, #tpu.memory_space<vmem>>)
        %sub3A = arith.constant 1 : i32
        %sub3A_307 = arith.subi %add3A_224, %sub3A : i32
        %max3A = arith.constant 0 : i32
        %max3A_308 = arith.maxsi %sub3A_307, %max3A : i32
        %dma_start3A_309 = arith.constant 0 : i32
        %dma_start3A_310 = arith.constant 0 : i32
        %dma_start3A_311 = arith.constant 0 : i32
        %dma_start3A_312 = tpu.memref_slice %arg8[%dma_start3A_309, %dma_start3A_310, %dma_start3A_311] : memref<2x256x64xf32, #tpu.memory_space<vmem>> -> memref<1x256x64xf32, #tpu.memory_space<vmem>>
        %dma_start3A_313 = tpu.memref_squeeze %dma_start3A_312 : memref<1x256x64xf32, #tpu.memory_space<vmem>> -> memref<256x64xf32, #tpu.memory_space<vmem>>
        %dma_start3A_314 = arith.constant 0 : i32
        %dma_start3A_315 = tpu.memref_slice %arg4[%max3A_308, %mul3A_2, %dma_start3A_314] : memref<200x8192x128xf32, #tpu.memory_space<hbm>> -> memref<1x256x64xf32, #tpu.memory_space<hbm>>
        %dma_start3A_316 = tpu.memref_squeeze %dma_start3A_315 : memref<1x256x64xf32, #tpu.memory_space<hbm>> -> memref<256x64xf32, #tpu.memory_space<hbm>>
        %dma_start3A_317 = arith.constant 0 : i32
        %dma_start3A_318 = tpu.memref_slice %arg4[%max3A_308, %mul3A_2, %dma_start3A_317] : memref<200x8192x128xf32, #tpu.memory_space<hbm>> -> memref<1x256x64xf32, #tpu.memory_space<hbm>>
        %dma_start3A_319 = tpu.memref_squeeze %dma_start3A_318 : memref<1x256x64xf32, #tpu.memory_space<hbm>> -> memref<256x64xf32, #tpu.memory_space<hbm>>
        %dma_start3A_320 = arith.constant 0 : i32
        %dma_start3A_321 = arith.constant 0 : i32
        %dma_start3A_322 = tpu.memref_slice %arg8[%dma_start3A_309, %dma_start3A_320, %dma_start3A_321] : memref<2x256x64xf32, #tpu.memory_space<vmem>> -> memref<1x256x64xf32, #tpu.memory_space<vmem>>
        %dma_start3A_323 = tpu.memref_squeeze %dma_start3A_322 : memref<1x256x64xf32, #tpu.memory_space<vmem>> -> memref<256x64xf32, #tpu.memory_space<vmem>>
        tpu.enqueue_dma source(%dma_start3A_323 : memref<256x64xf32, #tpu.memory_space<vmem>>) target(%dma_start3A_319 : memref<256x64xf32, #tpu.memory_space<hbm>>) target_semaphore(%arg12 : memref<!tpu.dma_semaphore, #tpu.memory_space<semaphore_mem>>)
        %dma_start3A_324 = arith.constant 1 : i32
        %dma_start3A_325 = arith.constant 0 : i32
        %dma_start3A_326 = arith.constant 0 : i32
        %dma_start3A_327 = tpu.memref_slice %arg8[%dma_start3A_324, %dma_start3A_325, %dma_start3A_326] : memref<2x256x64xf32, #tpu.memory_space<vmem>> -> memref<1x256x64xf32, #tpu.memory_space<vmem>>
        %dma_start3A_328 = tpu.memref_squeeze %dma_start3A_327 : memref<1x256x64xf32, #tpu.memory_space<vmem>> -> memref<256x64xf32, #tpu.memory_space<vmem>>
        %dma_start3A_329 = arith.constant 64 : i32
        %dma_start3A_330 = tpu.memref_slice %arg4[%max3A_308, %mul3A_2, %dma_start3A_329] : memref<200x8192x128xf32, #tpu.memory_space<hbm>> -> memref<1x256x64xf32, #tpu.memory_space<hbm>>
        %dma_start3A_331 = tpu.memref_squeeze %dma_start3A_330 : memref<1x256x64xf32, #tpu.memory_space<hbm>> -> memref<256x64xf32, #tpu.memory_space<hbm>>
        %dma_start3A_332 = arith.constant 64 : i32
        %dma_start3A_333 = tpu.memref_slice %arg4[%max3A_308, %mul3A_2, %dma_start3A_332] : memref<200x8192x128xf32, #tpu.memory_space<hbm>> -> memref<1x256x64xf32, #tpu.memory_space<hbm>>
        %dma_start3A_334 = tpu.memref_squeeze %dma_start3A_333 : memref<1x256x64xf32, #tpu.memory_space<hbm>> -> memref<256x64xf32, #tpu.memory_space<hbm>>
        %dma_start3A_335 = arith.constant 0 : i32
        %dma_start3A_336 = arith.constant 0 : i32
        %dma_start3A_337 = tpu.memref_slice %arg8[%dma_start3A_324, %dma_start3A_335, %dma_start3A_336] : memref<2x256x64xf32, #tpu.memory_space<vmem>> -> memref<1x256x64xf32, #tpu.memory_space<vmem>>
        %dma_start3A_338 = tpu.memref_squeeze %dma_start3A_337 : memref<1x256x64xf32, #tpu.memory_space<vmem>> -> memref<256x64xf32, #tpu.memory_space<vmem>>
        tpu.enqueue_dma source(%dma_start3A_338 : memref<256x64xf32, #tpu.memory_space<vmem>>) target(%dma_start3A_334 : memref<256x64xf32, #tpu.memory_space<hbm>>) target_semaphore(%arg12 : memref<!tpu.dma_semaphore, #tpu.memory_space<semaphore_mem>>)
        %mul3A_339 = arith.constant 2 : i32
        %mul3A_340 = arith.muli %mul3A_339, %scan3A_216 : i32
        %add3A_341 = arith.constant 1 : i32
        %add3A_342 = arith.addi %mul3A_340, %add3A_341 : i32
        %mul3A_343 = arith.constant 20 : i32
        %mul3A_344 = arith.muli %add3A_205, %mul3A_343 : i32
        %add3A_345 = arith.addi %mul3A_344, %add3A_342 : i32
        %dma_wait3A_346 = arith.constant 0 : i32
        %dma_wait3A_347 = arith.constant 0 : i32
        %dma_wait3A_348 = arith.constant 0 : i32
        %dma_wait3A_349 = arith.constant 0 : i32
        %dma_wait3A_350 = tpu.memref_slice %arg8[%dma_wait3A_346, %dma_wait3A_348, %dma_wait3A_349] : memref<2x256x64xf32, #tpu.memory_space<vmem>> -> memref<1x256x64xf32, #tpu.memory_space<vmem>>
        %dma_wait3A_351 = tpu.memref_squeeze %dma_wait3A_350 : memref<1x256x64xf32, #tpu.memory_space<vmem>> -> memref<256x64xf32, #tpu.memory_space<vmem>>
        %dma_wait3A_352 = arith.constant 0 : i32
        %dma_wait3A_353 = tpu.memref_slice %arg4[%dma_wait3A_347, %mul3A_2, %dma_wait3A_352] : memref<200x8192x128xf32, #tpu.memory_space<hbm>> -> memref<1x256x64xf32, #tpu.memory_space<hbm>>
        %dma_wait3A_354 = tpu.memref_squeeze %dma_wait3A_353 : memref<1x256x64xf32, #tpu.memory_space<hbm>> -> memref<256x64xf32, #tpu.memory_space<hbm>>
        %dma_wait3A_355 = arith.constant 0 : i32
        %dma_wait3A_356 = tpu.memref_slice %arg4[%dma_wait3A_347, %mul3A_2, %dma_wait3A_355] : memref<200x8192x128xf32, #tpu.memory_space<hbm>> -> memref<1x256x64xf32, #tpu.memory_space<hbm>>
        %dma_wait3A_357 = tpu.memref_squeeze %dma_wait3A_356 : memref<1x256x64xf32, #tpu.memory_space<hbm>> -> memref<256x64xf32, #tpu.memory_space<hbm>>
        %dma_wait3A_358 = arith.constant 0 : i32
        %dma_wait3A_359 = arith.constant 0 : i32
        %dma_wait3A_360 = tpu.memref_slice %arg8[%dma_wait3A_346, %dma_wait3A_358, %dma_wait3A_359] : memref<2x256x64xf32, #tpu.memory_space<vmem>> -> memref<1x256x64xf32, #tpu.memory_space<vmem>>
        %dma_wait3A_361 = tpu.memref_squeeze %dma_wait3A_360 : memref<1x256x64xf32, #tpu.memory_space<vmem>> -> memref<256x64xf32, #tpu.memory_space<vmem>>
        tpu.wait_dma2 semaphore(%arg12 : memref<!tpu.dma_semaphore, #tpu.memory_space<semaphore_mem>>) src(%dma_wait3A_361 : memref<256x64xf32, #tpu.memory_space<vmem>>) dst(%dma_wait3A_357 : memref<256x64xf32, #tpu.memory_space<hbm>>)
        %dma_wait3A_362 = arith.constant 1 : i32
        %dma_wait3A_363 = arith.constant 0 : i32
        %dma_wait3A_364 = arith.constant 0 : i32
        %dma_wait3A_365 = arith.constant 0 : i32
        %dma_wait3A_366 = tpu.memref_slice %arg8[%dma_wait3A_362, %dma_wait3A_364, %dma_wait3A_365] : memref<2x256x64xf32, #tpu.memory_space<vmem>> -> memref<1x256x64xf32, #tpu.memory_space<vmem>>
        %dma_wait3A_367 = tpu.memref_squeeze %dma_wait3A_366 : memref<1x256x64xf32, #tpu.memory_space<vmem>> -> memref<256x64xf32, #tpu.memory_space<vmem>>
        %dma_wait3A_368 = arith.constant 64 : i32
        %dma_wait3A_369 = tpu.memref_slice %arg4[%dma_wait3A_363, %mul3A_2, %dma_wait3A_368] : memref<200x8192x128xf32, #tpu.memory_space<hbm>> -> memref<1x256x64xf32, #tpu.memory_space<hbm>>
        %dma_wait3A_370 = tpu.memref_squeeze %dma_wait3A_369 : memref<1x256x64xf32, #tpu.memory_space<hbm>> -> memref<256x64xf32, #tpu.memory_space<hbm>>
        %dma_wait3A_371 = arith.constant 64 : i32
        %dma_wait3A_372 = tpu.memref_slice %arg4[%dma_wait3A_363, %mul3A_2, %dma_wait3A_371] : memref<200x8192x128xf32, #tpu.memory_space<hbm>> -> memref<1x256x64xf32, #tpu.memory_space<hbm>>
        %dma_wait3A_373 = tpu.memref_squeeze %dma_wait3A_372 : memref<1x256x64xf32, #tpu.memory_space<hbm>> -> memref<256x64xf32, #tpu.memory_space<hbm>>
        %dma_wait3A_374 = arith.constant 0 : i32
        %dma_wait3A_375 = arith.constant 0 : i32
        %dma_wait3A_376 = tpu.memref_slice %arg8[%dma_wait3A_362, %dma_wait3A_374, %dma_wait3A_375] : memref<2x256x64xf32, #tpu.memory_space<vmem>> -> memref<1x256x64xf32, #tpu.memory_space<vmem>>
        %dma_wait3A_377 = tpu.memref_squeeze %dma_wait3A_376 : memref<1x256x64xf32, #tpu.memory_space<vmem>> -> memref<256x64xf32, #tpu.memory_space<vmem>>
        tpu.wait_dma2 semaphore(%arg12 : memref<!tpu.dma_semaphore, #tpu.memory_space<semaphore_mem>>) src(%dma_wait3A_377 : memref<256x64xf32, #tpu.memory_space<vmem>>) dst(%dma_wait3A_373 : memref<256x64xf32, #tpu.memory_space<hbm>>)
        %dma_start3A_378 = arith.constant 0 : i32
        %dma_start3A_379 = arith.constant 0 : i32
        %dma_start3A_380 = arith.constant 0 : i32
        %dma_start3A_381 = arith.constant 0 : i32
        %dma_start3A_382 = tpu.memref_slice %arg8[%dma_start3A_379, %dma_start3A_380, %dma_start3A_381] : memref<2x256x64xf32, #tpu.memory_space<vmem>> -> memref<1x256x64xf32, #tpu.memory_space<vmem>>
        %dma_start3A_383 = tpu.memref_squeeze %dma_start3A_382 : memref<1x256x64xf32, #tpu.memory_space<vmem>> -> memref<256x64xf32, #tpu.memory_space<vmem>>
        %dma_start3A_384 = arith.constant 0 : i32
        %dma_start3A_385 = tpu.memref_slice %arg6[%add3A_342, %dma_start3A_378, %dma_start3A_384] : memref<20x2x256xi32, #tpu.memory_space<vmem>> -> memref<1x1x256xi32, #tpu.memory_space<vmem>>
        %dma_start3A_386 = tpu.memref_squeeze %dma_start3A_385 : memref<1x1x256xi32, #tpu.memory_space<vmem>> -> memref<256xi32, #tpu.memory_space<vmem>>
        %dma_start3A_387 = arith.constant 0 : i32
        %dma_start3A_388 = arith.constant 0 : i32
        %dma_start3A_389 = tpu.memref_slice %arg3[%dma_start3A_387, %dma_start3A_388] : memref<100000x64xf32, #tpu.memory_space<hbm>> -> memref<100000x64xf32, #tpu.memory_space<hbm>>
        tpu.enqueue_indirect_dma source(%dma_start3A_389 : memref<100000x64xf32, #tpu.memory_space<hbm>>) target(%dma_start3A_383 : memref<256x64xf32, #tpu.memory_space<vmem>>) offsets(%dma_start3A_386 : memref<256xi32, #tpu.memory_space<vmem>>) semaphore(%arg10 : memref<!tpu.dma_semaphore, #tpu.memory_space<semaphore_mem>>)
        %dma_start3A_390 = arith.constant 1 : i32
        %dma_start3A_391 = arith.constant 1 : i32
        %dma_start3A_392 = arith.constant 0 : i32
        %dma_start3A_393 = arith.constant 0 : i32
        %dma_start3A_394 = tpu.memref_slice %arg8[%dma_start3A_391, %dma_start3A_392, %dma_start3A_393] : memref<2x256x64xf32, #tpu.memory_space<vmem>> -> memref<1x256x64xf32, #tpu.memory_space<vmem>>
        %dma_start3A_395 = tpu.memref_squeeze %dma_start3A_394 : memref<1x256x64xf32, #tpu.memory_space<vmem>> -> memref<256x64xf32, #tpu.memory_space<vmem>>
        %dma_start3A_396 = arith.constant 0 : i32
        %dma_start3A_397 = tpu.memref_slice %arg6[%add3A_342, %dma_start3A_390, %dma_start3A_396] : memref<20x2x256xi32, #tpu.memory_space<vmem>> -> memref<1x1x256xi32, #tpu.memory_space<vmem>>
        %dma_start3A_398 = tpu.memref_squeeze %dma_start3A_397 : memref<1x1x256xi32, #tpu.memory_space<vmem>> -> memref<256xi32, #tpu.memory_space<vmem>>
        %dma_start3A_399 = arith.constant 0 : i32
        %dma_start3A_400 = arith.constant 0 : i32
        %dma_start3A_401 = tpu.memref_slice %arg3[%dma_start3A_399, %dma_start3A_400] : memref<100000x64xf32, #tpu.memory_space<hbm>> -> memref<100000x64xf32, #tpu.memory_space<hbm>>
        tpu.enqueue_indirect_dma source(%dma_start3A_401 : memref<100000x64xf32, #tpu.memory_space<hbm>>) target(%dma_start3A_395 : memref<256x64xf32, #tpu.memory_space<vmem>>) offsets(%dma_start3A_398 : memref<256xi32, #tpu.memory_space<vmem>>) semaphore(%arg10 : memref<!tpu.dma_semaphore, #tpu.memory_space<semaphore_mem>>)
        %dma_wait3A_402 = arith.constant 0 : i32
        %dma_wait3A_403 = arith.constant 0 : i32
        %dma_wait3A_404 = arith.constant 0 : i32
        %dma_wait3A_405 = arith.constant 0 : i32
        %dma_wait3A_406 = arith.constant 0 : i32
        %dma_wait3A_407 = tpu.memref_slice %arg7[%dma_wait3A_404, %dma_wait3A_405, %dma_wait3A_406] : memref<2x256x64xf32, #tpu.memory_space<vmem>> -> memref<1x256x64xf32, #tpu.memory_space<vmem>>
        %dma_wait3A_408 = tpu.memref_squeeze %dma_wait3A_407 : memref<1x256x64xf32, #tpu.memory_space<vmem>> -> memref<256x64xf32, #tpu.memory_space<vmem>>
        %dma_wait3A_409 = arith.constant 0 : i32
        %dma_wait3A_410 = tpu.memref_slice %arg5[%dma_wait3A_402, %dma_wait3A_403, %dma_wait3A_409] : memref<20x2x256xi32, #tpu.memory_space<vmem>> -> memref<1x1x256xi32, #tpu.memory_space<vmem>>
        %dma_wait3A_411 = tpu.memref_squeeze %dma_wait3A_410 : memref<1x1x256xi32, #tpu.memory_space<vmem>> -> memref<256xi32, #tpu.memory_space<vmem>>
        %dma_wait3A_412 = arith.constant 0 : i32
        %dma_wait3A_413 = arith.constant 0 : i32
        %dma_wait3A_414 = tpu.memref_slice %arg3[%dma_wait3A_412, %dma_wait3A_413] : memref<100000x64xf32, #tpu.memory_space<hbm>> -> memref<100000x64xf32, #tpu.memory_space<hbm>>
        tpu.wait_indirect_dma semaphore(%arg9 : memref<!tpu.dma_semaphore, #tpu.memory_space<semaphore_mem>>) src(%dma_wait3A_414 : memref<100000x64xf32, #tpu.memory_space<hbm>>) dst(%dma_wait3A_408 : memref<256x64xf32, #tpu.memory_space<vmem>>)
        %dma_wait3A_415 = arith.constant 0 : i32
        %dma_wait3A_416 = arith.constant 0 : i32
        %dma_wait3A_417 = arith.constant 1 : i32
        %dma_wait3A_418 = arith.constant 0 : i32
        %dma_wait3A_419 = arith.constant 0 : i32
        %dma_wait3A_420 = tpu.memref_slice %arg7[%dma_wait3A_417, %dma_wait3A_418, %dma_wait3A_419] : memref<2x256x64xf32, #tpu.memory_space<vmem>> -> memref<1x256x64xf32, #tpu.memory_space<vmem>>
        %dma_wait3A_421 = tpu.memref_squeeze %dma_wait3A_420 : memref<1x256x64xf32, #tpu.memory_space<vmem>> -> memref<256x64xf32, #tpu.memory_space<vmem>>
        %dma_wait3A_422 = arith.constant 0 : i32
        %dma_wait3A_423 = tpu.memref_slice %arg5[%dma_wait3A_415, %dma_wait3A_416, %dma_wait3A_422] : memref<20x2x256xi32, #tpu.memory_space<vmem>> -> memref<1x1x256xi32, #tpu.memory_space<vmem>>
        %dma_wait3A_424 = tpu.memref_squeeze %dma_wait3A_423 : memref<1x1x256xi32, #tpu.memory_space<vmem>> -> memref<256xi32, #tpu.memory_space<vmem>>
        %dma_wait3A_425 = arith.constant 0 : i32
        %dma_wait3A_426 = arith.constant 0 : i32
        %dma_wait3A_427 = tpu.memref_slice %arg3[%dma_wait3A_425, %dma_wait3A_426] : memref<100000x64xf32, #tpu.memory_space<hbm>> -> memref<100000x64xf32, #tpu.memory_space<hbm>>
        tpu.wait_indirect_dma semaphore(%arg9 : memref<!tpu.dma_semaphore, #tpu.memory_space<semaphore_mem>>) src(%dma_wait3A_427 : memref<100000x64xf32, #tpu.memory_space<hbm>>) dst(%dma_wait3A_421 : memref<256x64xf32, #tpu.memory_space<vmem>>)
        %sub3A_428 = arith.constant 1 : i32
        %sub3A_429 = arith.subi %add3A_345, %sub3A_428 : i32
        %max3A_430 = arith.constant 0 : i32
        %max3A_431 = arith.maxsi %sub3A_429, %max3A_430 : i32
        %dma_start3A_432 = arith.constant 0 : i32
        %dma_start3A_433 = arith.constant 0 : i32
        %dma_start3A_434 = arith.constant 0 : i32
        %dma_start3A_435 = tpu.memref_slice %arg7[%dma_start3A_432, %dma_start3A_433, %dma_start3A_434] : memref<2x256x64xf32, #tpu.memory_space<vmem>> -> memref<1x256x64xf32, #tpu.memory_space<vmem>>
        %dma_start3A_436 = tpu.memref_squeeze %dma_start3A_435 : memref<1x256x64xf32, #tpu.memory_space<vmem>> -> memref<256x64xf32, #tpu.memory_space<vmem>>
        %dma_start3A_437 = arith.constant 0 : i32
        %dma_start3A_438 = tpu.memref_slice %arg4[%max3A_431, %mul3A_2, %dma_start3A_437] : memref<200x8192x128xf32, #tpu.memory_space<hbm>> -> memref<1x256x64xf32, #tpu.memory_space<hbm>>
        %dma_start3A_439 = tpu.memref_squeeze %dma_start3A_438 : memref<1x256x64xf32, #tpu.memory_space<hbm>> -> memref<256x64xf32, #tpu.memory_space<hbm>>
        %dma_start3A_440 = arith.constant 0 : i32
        %dma_start3A_441 = tpu.memref_slice %arg4[%max3A_431, %mul3A_2, %dma_start3A_440] : memref<200x8192x128xf32, #tpu.memory_space<hbm>> -> memref<1x256x64xf32, #tpu.memory_space<hbm>>
        %dma_start3A_442 = tpu.memref_squeeze %dma_start3A_441 : memref<1x256x64xf32, #tpu.memory_space<hbm>> -> memref<256x64xf32, #tpu.memory_space<hbm>>
        %dma_start3A_443 = arith.constant 0 : i32
        %dma_start3A_444 = arith.constant 0 : i32
        %dma_start3A_445 = tpu.memref_slice %arg7[%dma_start3A_432, %dma_start3A_443, %dma_start3A_444] : memref<2x256x64xf32, #tpu.memory_space<vmem>> -> memref<1x256x64xf32, #tpu.memory_space<vmem>>
        %dma_start3A_446 = tpu.memref_squeeze %dma_start3A_445 : memref<1x256x64xf32, #tpu.memory_space<vmem>> -> memref<256x64xf32, #tpu.memory_space<vmem>>
        tpu.enqueue_dma source(%dma_start3A_446 : memref<256x64xf32, #tpu.memory_space<vmem>>) target(%dma_start3A_442 : memref<256x64xf32, #tpu.memory_space<hbm>>) target_semaphore(%arg11 : memref<!tpu.dma_semaphore, #tpu.memory_space<semaphore_mem>>)
        %dma_start3A_447 = arith.constant 1 : i32
        %dma_start3A_448 = arith.constant 0 : i32
        %dma_start3A_449 = arith.constant 0 : i32
        %dma_start3A_450 = tpu.memref_slice %arg7[%dma_start3A_447, %dma_start3A_448, %dma_start3A_449] : memref<2x256x64xf32, #tpu.memory_space<vmem>> -> memref<1x256x64xf32, #tpu.memory_space<vmem>>
        %dma_start3A_451 = tpu.memref_squeeze %dma_start3A_450 : memref<1x256x64xf32, #tpu.memory_space<vmem>> -> memref<256x64xf32, #tpu.memory_space<vmem>>
        %dma_start3A_452 = arith.constant 64 : i32
        %dma_start3A_453 = tpu.memref_slice %arg4[%max3A_431, %mul3A_2, %dma_start3A_452] : memref<200x8192x128xf32, #tpu.memory_space<hbm>> -> memref<1x256x64xf32, #tpu.memory_space<hbm>>
        %dma_start3A_454 = tpu.memref_squeeze %dma_start3A_453 : memref<1x256x64xf32, #tpu.memory_space<hbm>> -> memref<256x64xf32, #tpu.memory_space<hbm>>
        %dma_start3A_455 = arith.constant 64 : i32
        %dma_start3A_456 = tpu.memref_slice %arg4[%max3A_431, %mul3A_2, %dma_start3A_455] : memref<200x8192x128xf32, #tpu.memory_space<hbm>> -> memref<1x256x64xf32, #tpu.memory_space<hbm>>
        %dma_start3A_457 = tpu.memref_squeeze %dma_start3A_456 : memref<1x256x64xf32, #tpu.memory_space<hbm>> -> memref<256x64xf32, #tpu.memory_space<hbm>>
        %dma_start3A_458 = arith.constant 0 : i32
        %dma_start3A_459 = arith.constant 0 : i32
        %dma_start3A_460 = tpu.memref_slice %arg7[%dma_start3A_447, %dma_start3A_458, %dma_start3A_459] : memref<2x256x64xf32, #tpu.memory_space<vmem>> -> memref<1x256x64xf32, #tpu.memory_space<vmem>>
        %dma_start3A_461 = tpu.memref_squeeze %dma_start3A_460 : memref<1x256x64xf32, #tpu.memory_space<vmem>> -> memref<256x64xf32, #tpu.memory_space<vmem>>
        tpu.enqueue_dma source(%dma_start3A_461 : memref<256x64xf32, #tpu.memory_space<vmem>>) target(%dma_start3A_457 : memref<256x64xf32, #tpu.memory_space<hbm>>) target_semaphore(%arg11 : memref<!tpu.dma_semaphore, #tpu.memory_space<semaphore_mem>>)
        %scan3A_462 = arith.constant 0 : i32
        scf.yield %scan3A_462 : i32
      }
      %scan3A_214 = arith.constant 10 : i32
      %scan3A_215 = arith.constant 0 : i32
      scf.yield %scan3A_215 : i32
    }
    %scan3A_65 = arith.constant 5 : i32
    %dma_wait3A = arith.constant 0 : i32
    %dma_wait3A_66 = arith.constant 0 : i32
    %dma_wait3A_67 = arith.constant 0 : i32
    %dma_wait3A_68 = arith.constant 0 : i32
    %dma_wait3A_69 = arith.constant 0 : i32
    %dma_wait3A_70 = tpu.memref_slice %arg8[%dma_wait3A_67, %dma_wait3A_68, %dma_wait3A_69] : memref<2x256x64xf32, #tpu.memory_space<vmem>> -> memref<1x256x64xf32, #tpu.memory_space<vmem>>
    %dma_wait3A_71 = tpu.memref_squeeze %dma_wait3A_70 : memref<1x256x64xf32, #tpu.memory_space<vmem>> -> memref<256x64xf32, #tpu.memory_space<vmem>>
    %dma_wait3A_72 = arith.constant 0 : i32
    %dma_wait3A_73 = tpu.memref_slice %arg5[%dma_wait3A, %dma_wait3A_66, %dma_wait3A_72] : memref<20x2x256xi32, #tpu.memory_space<vmem>> -> memref<1x1x256xi32, #tpu.memory_space<vmem>>
    %dma_wait3A_74 = tpu.memref_squeeze %dma_wait3A_73 : memref<1x1x256xi32, #tpu.memory_space<vmem>> -> memref<256xi32, #tpu.memory_space<vmem>>
    %dma_wait3A_75 = arith.constant 0 : i32
    %dma_wait3A_76 = arith.constant 0 : i32
    %dma_wait3A_77 = tpu.memref_slice %arg3[%dma_wait3A_75, %dma_wait3A_76] : memref<100000x64xf32, #tpu.memory_space<hbm>> -> memref<100000x64xf32, #tpu.memory_space<hbm>>
    tpu.wait_indirect_dma semaphore(%arg10 : memref<!tpu.dma_semaphore, #tpu.memory_space<semaphore_mem>>) src(%dma_wait3A_77 : memref<100000x64xf32, #tpu.memory_space<hbm>>) dst(%dma_wait3A_71 : memref<256x64xf32, #tpu.memory_space<vmem>>)
    %dma_wait3A_78 = arith.constant 0 : i32
    %dma_wait3A_79 = arith.constant 0 : i32
    %dma_wait3A_80 = arith.constant 1 : i32
    %dma_wait3A_81 = arith.constant 0 : i32
    %dma_wait3A_82 = arith.constant 0 : i32
    %dma_wait3A_83 = tpu.memref_slice %arg8[%dma_wait3A_80, %dma_wait3A_81, %dma_wait3A_82] : memref<2x256x64xf32, #tpu.memory_space<vmem>> -> memref<1x256x64xf32, #tpu.memory_space<vmem>>
    %dma_wait3A_84 = tpu.memref_squeeze %dma_wait3A_83 : memref<1x256x64xf32, #tpu.memory_space<vmem>> -> memref<256x64xf32, #tpu.memory_space<vmem>>
    %dma_wait3A_85 = arith.constant 0 : i32
    %dma_wait3A_86 = tpu.memref_slice %arg5[%dma_wait3A_78, %dma_wait3A_79, %dma_wait3A_85] : memref<20x2x256xi32, #tpu.memory_space<vmem>> -> memref<1x1x256xi32, #tpu.memory_space<vmem>>
    %dma_wait3A_87 = tpu.memref_squeeze %dma_wait3A_86 : memref<1x1x256xi32, #tpu.memory_space<vmem>> -> memref<256xi32, #tpu.memory_space<vmem>>
    %dma_wait3A_88 = arith.constant 0 : i32
    %dma_wait3A_89 = arith.constant 0 : i32
    %dma_wait3A_90 = tpu.memref_slice %arg3[%dma_wait3A_88, %dma_wait3A_89] : memref<100000x64xf32, #tpu.memory_space<hbm>> -> memref<100000x64xf32, #tpu.memory_space<hbm>>
    tpu.wait_indirect_dma semaphore(%arg10 : memref<!tpu.dma_semaphore, #tpu.memory_space<semaphore_mem>>) src(%dma_wait3A_90 : memref<100000x64xf32, #tpu.memory_space<hbm>>) dst(%dma_wait3A_84 : memref<256x64xf32, #tpu.memory_space<vmem>>)
    %dma_start3A_91 = arith.constant 0 : i32
    %dma_start3A_92 = arith.constant 199 : i32
    %dma_start3A_93 = arith.constant 0 : i32
    %dma_start3A_94 = arith.constant 0 : i32
    %dma_start3A_95 = tpu.memref_slice %arg8[%dma_start3A_91, %dma_start3A_93, %dma_start3A_94] : memref<2x256x64xf32, #tpu.memory_space<vmem>> -> memref<1x256x64xf32, #tpu.memory_space<vmem>>
    %dma_start3A_96 = tpu.memref_squeeze %dma_start3A_95 : memref<1x256x64xf32, #tpu.memory_space<vmem>> -> memref<256x64xf32, #tpu.memory_space<vmem>>
    %dma_start3A_97 = arith.constant 0 : i32
    %dma_start3A_98 = tpu.memref_slice %arg4[%dma_start3A_92, %mul3A_2, %dma_start3A_97] : memref<200x8192x128xf32, #tpu.memory_space<hbm>> -> memref<1x256x64xf32, #tpu.memory_space<hbm>>
    %dma_start3A_99 = tpu.memref_squeeze %dma_start3A_98 : memref<1x256x64xf32, #tpu.memory_space<hbm>> -> memref<256x64xf32, #tpu.memory_space<hbm>>
    %dma_start3A_100 = arith.constant 0 : i32
    %dma_start3A_101 = tpu.memref_slice %arg4[%dma_start3A_92, %mul3A_2, %dma_start3A_100] : memref<200x8192x128xf32, #tpu.memory_space<hbm>> -> memref<1x256x64xf32, #tpu.memory_space<hbm>>
    %dma_start3A_102 = tpu.memref_squeeze %dma_start3A_101 : memref<1x256x64xf32, #tpu.memory_space<hbm>> -> memref<256x64xf32, #tpu.memory_space<hbm>>
    %dma_start3A_103 = arith.constant 0 : i32
    %dma_start3A_104 = arith.constant 0 : i32
    %dma_start3A_105 = tpu.memref_slice %arg8[%dma_start3A_91, %dma_start3A_103, %dma_start3A_104] : memref<2x256x64xf32, #tpu.memory_space<vmem>> -> memref<1x256x64xf32, #tpu.memory_space<vmem>>
    %dma_start3A_106 = tpu.memref_squeeze %dma_start3A_105 : memref<1x256x64xf32, #tpu.memory_space<vmem>> -> memref<256x64xf32, #tpu.memory_space<vmem>>
    tpu.enqueue_dma source(%dma_start3A_106 : memref<256x64xf32, #tpu.memory_space<vmem>>) target(%dma_start3A_102 : memref<256x64xf32, #tpu.memory_space<hbm>>) target_semaphore(%arg12 : memref<!tpu.dma_semaphore, #tpu.memory_space<semaphore_mem>>)
    %dma_start3A_107 = arith.constant 1 : i32
    %dma_start3A_108 = arith.constant 199 : i32
    %dma_start3A_109 = arith.constant 0 : i32
    %dma_start3A_110 = arith.constant 0 : i32
    %dma_start3A_111 = tpu.memref_slice %arg8[%dma_start3A_107, %dma_start3A_109, %dma_start3A_110] : memref<2x256x64xf32, #tpu.memory_space<vmem>> -> memref<1x256x64xf32, #tpu.memory_space<vmem>>
    %dma_start3A_112 = tpu.memref_squeeze %dma_start3A_111 : memref<1x256x64xf32, #tpu.memory_space<vmem>> -> memref<256x64xf32, #tpu.memory_space<vmem>>
    %dma_start3A_113 = arith.constant 64 : i32
    %dma_start3A_114 = tpu.memref_slice %arg4[%dma_start3A_108, %mul3A_2, %dma_start3A_113] : memref<200x8192x128xf32, #tpu.memory_space<hbm>> -> memref<1x256x64xf32, #tpu.memory_space<hbm>>
    %dma_start3A_115 = tpu.memref_squeeze %dma_start3A_114 : memref<1x256x64xf32, #tpu.memory_space<hbm>> -> memref<256x64xf32, #tpu.memory_space<hbm>>
    %dma_start3A_116 = arith.constant 64 : i32
    %dma_start3A_117 = tpu.memref_slice %arg4[%dma_start3A_108, %mul3A_2, %dma_start3A_116] : memref<200x8192x128xf32, #tpu.memory_space<hbm>> -> memref<1x256x64xf32, #tpu.memory_space<hbm>>
    %dma_start3A_118 = tpu.memref_squeeze %dma_start3A_117 : memref<1x256x64xf32, #tpu.memory_space<hbm>> -> memref<256x64xf32, #tpu.memory_space<hbm>>
    %dma_start3A_119 = arith.constant 0 : i32
    %dma_start3A_120 = arith.constant 0 : i32
    %dma_start3A_121 = tpu.memref_slice %arg8[%dma_start3A_107, %dma_start3A_119, %dma_start3A_120] : memref<2x256x64xf32, #tpu.memory_space<vmem>> -> memref<1x256x64xf32, #tpu.memory_space<vmem>>
    %dma_start3A_122 = tpu.memref_squeeze %dma_start3A_121 : memref<1x256x64xf32, #tpu.memory_space<vmem>> -> memref<256x64xf32, #tpu.memory_space<vmem>>
    tpu.enqueue_dma source(%dma_start3A_122 : memref<256x64xf32, #tpu.memory_space<vmem>>) target(%dma_start3A_118 : memref<256x64xf32, #tpu.memory_space<hbm>>) target_semaphore(%arg12 : memref<!tpu.dma_semaphore, #tpu.memory_space<semaphore_mem>>)
    %dma_wait3A_123 = arith.constant 0 : i32
    %dma_wait3A_124 = arith.constant 0 : i32
    %dma_wait3A_125 = arith.constant 0 : i32
    %dma_wait3A_126 = arith.constant 0 : i32
    %dma_wait3A_127 = tpu.memref_slice %arg7[%dma_wait3A_123, %dma_wait3A_125, %dma_wait3A_126] : memref<2x256x64xf32, #tpu.memory_space<vmem>> -> memref<1x256x64xf32, #tpu.memory_space<vmem>>
    %dma_wait3A_128 = tpu.memref_squeeze %dma_wait3A_127 : memref<1x256x64xf32, #tpu.memory_space<vmem>> -> memref<256x64xf32, #tpu.memory_space<vmem>>
    %dma_wait3A_129 = arith.constant 0 : i32
    %dma_wait3A_130 = tpu.memref_slice %arg4[%dma_wait3A_124, %mul3A_2, %dma_wait3A_129] : memref<200x8192x128xf32, #tpu.memory_space<hbm>> -> memref<1x256x64xf32, #tpu.memory_space<hbm>>
    %dma_wait3A_131 = tpu.memref_squeeze %dma_wait3A_130 : memref<1x256x64xf32, #tpu.memory_space<hbm>> -> memref<256x64xf32, #tpu.memory_space<hbm>>
    %dma_wait3A_132 = arith.constant 0 : i32
    %dma_wait3A_133 = tpu.memref_slice %arg4[%dma_wait3A_124, %mul3A_2, %dma_wait3A_132] : memref<200x8192x128xf32, #tpu.memory_space<hbm>> -> memref<1x256x64xf32, #tpu.memory_space<hbm>>
    %dma_wait3A_134 = tpu.memref_squeeze %dma_wait3A_133 : memref<1x256x64xf32, #tpu.memory_space<hbm>> -> memref<256x64xf32, #tpu.memory_space<hbm>>
    %dma_wait3A_135 = arith.constant 0 : i32
    %dma_wait3A_136 = arith.constant 0 : i32
    %dma_wait3A_137 = tpu.memref_slice %arg7[%dma_wait3A_123, %dma_wait3A_135, %dma_wait3A_136] : memref<2x256x64xf32, #tpu.memory_space<vmem>> -> memref<1x256x64xf32, #tpu.memory_space<vmem>>
    %dma_wait3A_138 = tpu.memref_squeeze %dma_wait3A_137 : memref<1x256x64xf32, #tpu.memory_space<vmem>> -> memref<256x64xf32, #tpu.memory_space<vmem>>
    tpu.wait_dma2 semaphore(%arg11 : memref<!tpu.dma_semaphore, #tpu.memory_space<semaphore_mem>>) src(%dma_wait3A_138 : memref<256x64xf32, #tpu.memory_space<vmem>>) dst(%dma_wait3A_134 : memref<256x64xf32, #tpu.memory_space<hbm>>)
    %dma_wait3A_139 = arith.constant 1 : i32
    %dma_wait3A_140 = arith.constant 0 : i32
    %dma_wait3A_141 = arith.constant 0 : i32
    %dma_wait3A_142 = arith.constant 0 : i32
    %dma_wait3A_143 = tpu.memref_slice %arg7[%dma_wait3A_139, %dma_wait3A_141, %dma_wait3A_142] : memref<2x256x64xf32, #tpu.memory_space<vmem>> -> memref<1x256x64xf32, #tpu.memory_space<vmem>>
    %dma_wait3A_144 = tpu.memref_squeeze %dma_wait3A_143 : memref<1x256x64xf32, #tpu.memory_space<vmem>> -> memref<256x64xf32, #tpu.memory_space<vmem>>
    %dma_wait3A_145 = arith.constant 64 : i32
    %dma_wait3A_146 = tpu.memref_slice %arg4[%dma_wait3A_140, %mul3A_2, %dma_wait3A_145] : memref<200x8192x128xf32, #tpu.memory_space<hbm>> -> memref<1x256x64xf32, #tpu.memory_space<hbm>>
    %dma_wait3A_147 = tpu.memref_squeeze %dma_wait3A_146 : memref<1x256x64xf32, #tpu.memory_space<hbm>> -> memref<256x64xf32, #tpu.memory_space<hbm>>
    %dma_wait3A_148 = arith.constant 64 : i32
    %dma_wait3A_149 = tpu.memref_slice %arg4[%dma_wait3A_140, %mul3A_2, %dma_wait3A_148] : memref<200x8192x128xf32, #tpu.memory_space<hbm>> -> memref<1x256x64xf32, #tpu.memory_space<hbm>>
    %dma_wait3A_150 = tpu.memref_squeeze %dma_wait3A_149 : memref<1x256x64xf32, #tpu.memory_space<hbm>> -> memref<256x64xf32, #tpu.memory_space<hbm>>
    %dma_wait3A_151 = arith.constant 0 : i32
    %dma_wait3A_152 = arith.constant 0 : i32
    %dma_wait3A_153 = tpu.memref_slice %arg7[%dma_wait3A_139, %dma_wait3A_151, %dma_wait3A_152] : memref<2x256x64xf32, #tpu.memory_space<vmem>> -> memref<1x256x64xf32, #tpu.memory_space<vmem>>
    %dma_wait3A_154 = tpu.memref_squeeze %dma_wait3A_153 : memref<1x256x64xf32, #tpu.memory_space<vmem>> -> memref<256x64xf32, #tpu.memory_space<vmem>>
    tpu.wait_dma2 semaphore(%arg11 : memref<!tpu.dma_semaphore, #tpu.memory_space<semaphore_mem>>) src(%dma_wait3A_154 : memref<256x64xf32, #tpu.memory_space<vmem>>) dst(%dma_wait3A_150 : memref<256x64xf32, #tpu.memory_space<hbm>>)
    %dma_wait3A_155 = arith.constant 0 : i32
    %dma_wait3A_156 = arith.constant 0 : i32
    %dma_wait3A_157 = arith.constant 0 : i32
    %dma_wait3A_158 = arith.constant 0 : i32
    %dma_wait3A_159 = tpu.memref_slice %arg8[%dma_wait3A_155, %dma_wait3A_157, %dma_wait3A_158] : memref<2x256x64xf32, #tpu.memory_space<vmem>> -> memref<1x256x64xf32, #tpu.memory_space<vmem>>
    %dma_wait3A_160 = tpu.memref_squeeze %dma_wait3A_159 : memref<1x256x64xf32, #tpu.memory_space<vmem>> -> memref<256x64xf32, #tpu.memory_space<vmem>>
    %dma_wait3A_161 = arith.constant 0 : i32
    %dma_wait3A_162 = tpu.memref_slice %arg4[%dma_wait3A_156, %mul3A_2, %dma_wait3A_161] : memref<200x8192x128xf32, #tpu.memory_space<hbm>> -> memref<1x256x64xf32, #tpu.memory_space<hbm>>
    %dma_wait3A_163 = tpu.memref_squeeze %dma_wait3A_162 : memref<1x256x64xf32, #tpu.memory_space<hbm>> -> memref<256x64xf32, #tpu.memory_space<hbm>>
    %dma_wait3A_164 = arith.constant 0 : i32
    %dma_wait3A_165 = tpu.memref_slice %arg4[%dma_wait3A_156, %mul3A_2, %dma_wait3A_164] : memref<200x8192x128xf32, #tpu.memory_space<hbm>> -> memref<1x256x64xf32, #tpu.memory_space<hbm>>
    %dma_wait3A_166 = tpu.memref_squeeze %dma_wait3A_165 : memref<1x256x64xf32, #tpu.memory_space<hbm>> -> memref<256x64xf32, #tpu.memory_space<hbm>>
    %dma_wait3A_167 = arith.constant 0 : i32
    %dma_wait3A_168 = arith.constant 0 : i32
    %dma_wait3A_169 = tpu.memref_slice %arg8[%dma_wait3A_155, %dma_wait3A_167, %dma_wait3A_168] : memref<2x256x64xf32, #tpu.memory_space<vmem>> -> memref<1x256x64xf32, #tpu.memory_space<vmem>>
    %dma_wait3A_170 = tpu.memref_squeeze %dma_wait3A_169 : memref<1x256x64xf32, #tpu.memory_space<vmem>> -> memref<256x64xf32, #tpu.memory_space<vmem>>
    tpu.wait_dma2 semaphore(%arg12 : memref<!tpu.dma_semaphore, #tpu.memory_space<semaphore_mem>>) src(%dma_wait3A_170 : memref<256x64xf32, #tpu.memory_space<vmem>>) dst(%dma_wait3A_166 : memref<256x64xf32, #tpu.memory_space<hbm>>)
    %dma_wait3A_171 = arith.constant 1 : i32
    %dma_wait3A_172 = arith.constant 0 : i32
    %dma_wait3A_173 = arith.constant 0 : i32
    %dma_wait3A_174 = arith.constant 0 : i32
    %dma_wait3A_175 = tpu.memref_slice %arg8[%dma_wait3A_171, %dma_wait3A_173, %dma_wait3A_174] : memref<2x256x64xf32, #tpu.memory_space<vmem>> -> memref<1x256x64xf32, #tpu.memory_space<vmem>>
    %dma_wait3A_176 = tpu.memref_squeeze %dma_wait3A_175 : memref<1x256x64xf32, #tpu.memory_space<vmem>> -> memref<256x64xf32, #tpu.memory_space<vmem>>
    %dma_wait3A_177 = arith.constant 64 : i32
    %dma_wait3A_178 = tpu.memref_slice %arg4[%dma_wait3A_172, %mul3A_2, %dma_wait3A_177] : memref<200x8192x128xf32, #tpu.memory_space<hbm>> -> memref<1x256x64xf32, #tpu.memory_space<hbm>>
    %dma_wait3A_179 = tpu.memref_squeeze %dma_wait3A_178 : memref<1x256x64xf32, #tpu.memory_space<hbm>> -> memref<256x64xf32, #tpu.memory_space<hbm>>
    %dma_wait3A_180 = arith.constant 64 : i32
    %dma_wait3A_181 = tpu.memref_slice %arg4[%dma_wait3A_172, %mul3A_2, %dma_wait3A_180] : memref<200x8192x128xf32, #tpu.memory_space<hbm>> -> memref<1x256x64xf32, #tpu.memory_space<hbm>>
    %dma_wait3A_182 = tpu.memref_squeeze %dma_wait3A_181 : memref<1x256x64xf32, #tpu.memory_space<hbm>> -> memref<256x64xf32, #tpu.memory_space<hbm>>
    %dma_wait3A_183 = arith.constant 0 : i32
    %dma_wait3A_184 = arith.constant 0 : i32
    %dma_wait3A_185 = tpu.memref_slice %arg8[%dma_wait3A_171, %dma_wait3A_183, %dma_wait3A_184] : memref<2x256x64xf32, #tpu.memory_space<vmem>> -> memref<1x256x64xf32, #tpu.memory_space<vmem>>
    %dma_wait3A_186 = tpu.memref_squeeze %dma_wait3A_185 : memref<1x256x64xf32, #tpu.memory_space<vmem>> -> memref<256x64xf32, #tpu.memory_space<vmem>>
    tpu.wait_dma2 semaphore(%arg12 : memref<!tpu.dma_semaphore, #tpu.memory_space<semaphore_mem>>) src(%dma_wait3A_186 : memref<256x64xf32, #tpu.memory_space<vmem>>) dst(%dma_wait3A_182 : memref<256x64xf32, #tpu.memory_space<hbm>>)
    return
  }
}

</mosaic_0001>

<sc_bundles>
// kernel: kernel.3.cloned.1.call-start
scs
__scs_entry_jumppad:
0x0: {  	(pc) =	sbr.rel $0x88, $3  }
0x1: {  	(tag) =	ssettag $0x0;
	lr =	simm.s32 $0x1  }
0x2: {  	[smem:$0x3F9F] =	sst lr;
	_ =	strace $0xD0000000  }
0x3: {  	_ = 	snop  }
0x4: {  	_ = 	snop  }
0x5: {  	_ = 	snop  }
0x6: {  	_ = 	snop  }
0x7: {  	_ = 	snop  }
__scs_overlays_trampoline_lowered:
0x8: {  	[smem:$0x3FAE] =	sst s0  }
0x9: {  	[smem:$0x3FAF] =	sst s1  }
0xa: {  	[smem:$0x3FB0] =	sst s2  }
0xb: {  	[smem:$0x3FB1] =	sst s3  }
0xc: {  	[smem:$0x3FB2] =	sst s4  }
0xd: {  	[smem:$0x3FB3] =	sst s5  }
0xe: {  	[smem:$0x3FB4] =	sst s6  }
0xf: {  	[smem:$0x3FB5] =	sst s7  }
0x10: {  	[smem:$0x3FB6] =	sst s8  }
0x11: {  	[smem:$0x3FB7] =	sst s9;
	s0 =	simm.s32 @!p0 $0x0  }
0x12: {  	s1 =	sld [smem:$0x3F9D];
	s0 =	simm.s32 @p0 $0x1  }
0x13: {  	[smem:$0x3FB8] =	sst s0;
	s0 =	simm.s32 @!p1 $0x0  }
0x14: {  	s2 =	sld [smem:$0x3F9C];
	s0 =	simm.s32 @p1 $0x1  }
0x15: {  	[smem:$0x3FB9] =	sst s0;
	s0 =	simm.s32 @!p2 $0x0  }
0x16: {  	s3 =	sld [smem:$0x3FDB];
	s0 =	simm.s32 @p2 $0x1  }
0x17: {  	s4 =	simm.s32 $0x1BF5;
	[smem:$0x3FBB] =	sst s0  }
0x18: {  	s0 =	sld [smem:$0x3F9E];
	_ =	swait.ge [sflag:s4], $0x0  }
0x19: {  	s7 =	sld [smem:$0x3F9F]  }
0x1a: {  	s8 =	sadd.s32 $0xFFFFE003, lr  }
0x1b: {  	s9 =	sadd.s32 $0xFFFFFEF7, lr;
	s5 =	simm.s32 $0xFFFFFFFF;
	p2 =	slt.u32 s8, $0xFFFFF086  }
0x1c: {  	p1 =	slt.u32 s9, $0xF7A;
	s5 =	simm.s32 @!p2 $0x0  }
0x1d: {  	s5 =	simm.s32 @p1 $0x1;
	p0 =	seq.s32 s7, s2  }
0x1e: {  	s7 =	smul.u32 @!p0 $0xF7A, s2;
	p2 =	seq.s32 @!p0 s5, $0x0  }
0x1f: {  	s9 =	smul.u32 $0xF7A, s1;
	s8 =	simm.s32 @!p0 $0x1BF5;
	p2 =	por !p2, p0  }
0x20: {  	[sflag:s8] =	ssyncset.s32 @!p0 $0xFFFFF086;
	s6 =	sadd.s32 @!p0 s3, s7;
	s7 =	simm.s32 @!p0 $0x108  }
0x21: {  	s3 =	sadd.s32 s3, s9;
	s6 =	sadd.s32 @!p0 $0x88, s6;
	s7 =	simm.s32 @p2 $0x1082  }
0x22: {  	[simem:s7], [sflag:s8] =	dma.local @!p0 [hbm:s6], $0xF7A  }
0x23: {  	s9 =	sor.u32 $0xD0000000, s2;
	s6 =	simm.s32 $0x108;
	_ =	swait.ge @!p0 [sflag:s8], $0x0  }
0x24: {  	s3 =	sadd.s32 $0x88, s3;
	s6 =	simm.s32 @!p1 $0x1082;
	[sflag:s4] =	ssyncset.s32 $0xFFFFF086  }
0x25: {  	[simem:s6], [sflag:s4] =	dma.local [hbm:s3], $0xF7A  }
0x26: {  	[smem:$0x3F9F] =	sst s1;
	(tag) =	ssettag s2;
	_ =	strace s9  }
0x27: {  	s1 =	sld [smem:$0x3FAF]  }
0x28: {  	s2 =	sld [smem:$0x3FB0]  }
0x29: {  	s4 =	sld [smem:$0x3FB2]  }
0x2a: {  	p0 =	seq.s32 s5, $0x0;
	s5 =	sld [smem:$0x3FB3]  }
0x2b: {  	s6 =	sld [smem:$0x3FB4]  }
0x2c: {  	s7 =	sld [smem:$0x3FB5]  }
0x2d: {  	s3 =	simm.s32 $0x108;
	s8 =	sld [smem:$0x3FB6]  }
0x2e: {  	s3 =	simm.s32 @!p0 $0x1082;
	s9 =	sld [smem:$0x3FB7]  }
0x2f: {  	lr =	sadd.s32 s0, s3;
	s0 =	sld [smem:$0x3FAE]  }
0x30: {  	s3 =	sld [smem:$0x3FB1]  }
0x31: {  	[smem:$0x3FBA] =	sst s10  }
0x32: {  	s10 =	sld [smem:$0x3FB8];
	_ =	sdelay $0x3  }
0x33: {  	p0 =	seq.s32 s10, $0x1;
	s10 =	sld [smem:$0x3FBA];
	_ =	sdelay $0x3  }
0x34: {  	[smem:$0x3FBA] =	sst s10  }
0x35: {  	s10 =	sld [smem:$0x3FB9];
	_ =	sdelay $0x3  }
0x36: {  	p1 =	seq.s32 s10, $0x1;
	s10 =	sld [smem:$0x3FBA];
	_ =	sdelay $0x3  }
0x37: {  	[smem:$0x3FBA] =	sst s10  }
0x38: {  	s10 =	sld [smem:$0x3FBB]  }
0x39: {  	_ = 	snop;
	(pc) =	sbr.ind lr, $3  }
0x3a: {  	_ = 	snop  }
0x3b: {  	_ = 	snop  }
0x3c: {  	p2 =	seq.s32 s10, $0x1;
	s10 =	sld [smem:$0x3FBA]  }
0x3d: {  	_ =	shalt  }
0x3e: {  	_ =	shalt  }
0x3f: {  	_ =	shalt  }
0x40: {  	_ =	shalt  }
0x41: {  	_ =	shalt  }
0x42: {  	_ =	shalt  }
0x43: {  	_ =	shalt  }
0x44: {  	_ =	shalt  }
0x45: {  	_ =	shalt  }
0x46: {  	_ =	shalt  }
0x47: {  	_ =	shalt  }
0x48: {  	_ =	shalt  }
0x49: {  	_ =	shalt  }
0x4a: {  	_ =	shalt  }
0x4b: {  	_ =	shalt  }
0x4c: {  	_ =	shalt  }
0x4d: {  	_ =	shalt  }
0x4e: {  	_ =	shalt  }
0x4f: {  	_ =	shalt  }
0x50: {  	_ =	shalt  }
0x51: {  	_ =	shalt  }
0x52: {  	_ =	shalt  }
0x53: {  	_ =	shalt  }
0x54: {  	_ =	shalt  }
0x55: {  	_ =	shalt  }
0x56: {  	_ =	shalt  }
0x57: {  	_ =	shalt  }
0x58: {  	_ =	shalt  }
0x59: {  	_ =	shalt  }
0x5a: {  	_ =	shalt  }
0x5b: {  	_ =	shalt  }
0x5c: {  	_ =	shalt  }
0x5d: {  	_ =	shalt  }
0x5e: {  	_ =	shalt  }
0x5f: {  	_ =	shalt  }
0x60: {  	_ =	shalt  }
0x61: {  	_ =	shalt  }
0x62: {  	_ =	shalt  }
0x63: {  	_ =	shalt  }
0x64: {  	_ =	shalt  }
0x65: {  	_ =	shalt  }
0x66: {  	_ =	shalt  }
0x67: {  	_ =	shalt  }
0x68: {  	_ =	shalt  }
0x69: {  	_ =	shalt  }
0x6a: {  	_ =	shalt  }
0x6b: {  	_ =	shalt  }
0x6c: {  	_ =	shalt  }
0x6d: {  	_ =	shalt  }
0x6e: {  	_ =	shalt  }
0x6f: {  	_ =	shalt  }
0x70: {  	_ =	shalt  }
0x71: {  	_ =	shalt  }
0x72: {  	_ =	shalt  }
0x73: {  	_ =	shalt  }
0x74: {  	_ =	shalt  }
0x75: {  	_ =	shalt  }
0x76: {  	_ =	shalt  }
0x77: {  	_ =	shalt  }
0x78: {  	_ =	shalt  }
0x79: {  	_ =	shalt  }
0x7a: {  	_ =	shalt  }
0x7b: {  	_ =	shalt  }
0x7c: {  	_ =	shalt  }
0x7d: {  	_ =	shalt  }
0x7e: {  	_ =	shalt  }
0x7f: {  	_ =	shalt  }
0x80: {  	_ =	shalt  }
0x81: {  	_ =	shalt  }
0x82: {  	_ =	shalt  }
0x83: {  	_ =	shalt  }
0x84: {  	_ =	shalt  }
0x85: {  	_ =	shalt  }
0x86: {  	_ =	shalt  }
0x87: {  	_ =	shalt  }
.Lfunc_end0:
.L_simem_size_0:
called_computation.2_lowered:
.L_overlay_start_0:
0x88: {  	s2 =	sld [smem:$0x3FD9]  }
0x89: {  	s3 =	sld [smem:$0x3FFE];
	_ =	sdelay $0x1  }
0x8a: {  	s1 =	srdreg.scid  }
0x8b: {  	s0 =	sand.u32 $0x1, s1  }
0x8c: {  	s17 =	sshll.u32 s0, $0xA;
	s2 =	sadd.s32 s3, s2  }
0x8d: {  	s2 =	sadd.s32 s2, s17  }
0x8e: {  	[smem:$0x3FC6] =	sst s2  }
0x8f: {  	_ = 	snop  }
0x90: {  	s2 =	sld [smem:$0x3FD0];
	(tm) =	ssettm $0x1  }
0x91: {  	s18 =	sld [smem:$0x3FFB];
	_ =	sdelay $0x3  }
0x92: {  	_ =	strace s18  }
0x93: {  	s3 =	sld [smem:$0x3FFC];
	_ =	sdelay $0x3  }
0x94: {  	_ =	strace s3  }
0x95: {  	s3 =	sld [smem:$0x3FFD];
	_ =	sdelay $0x3  }
0x96: {  	_ =	strace s3  }
0x97: {  	_ =	strace $0x8FFFFFFF  }
0x98: {  	s19 =	sld [smem:$0x3FDB];
	_ =	sdelay $0x1  }
0x99: {  	s4 =	simm.s32 $_scs_section_size  }
0x9a: {  	s5 =	simm.s32 $_size__tile_overlayer_lowered;
	s6 =	simm.s32 $_tile_overlayer_lowered  }
0x9b: {  	s22 =	simm.s32 $0x1BFF;
	s21 =	sshll.u32 s6, $0x1;
	s3 =	sadd.s32 s4, s19  }
0x9c: {  	s7 =	simm.s32 $0x0;
	s20 =	sshll.u32 s5, $0x1;
	s5 =	sadd.s32 s21, s3  }
0x9d: {  	[timem:s7], [sflag:s22] =	dma.local [hbm:s5], s20  }
0x9e: {  	_ =	swait.ge [sflag:s22], s20  }
0x9f: {  	s4 =	ssub.s32 $0x0, s20;
	[sflag:s22] =	ssyncset.done $0x0  }
0xa0: {  	[sflag:s22] =	ssyncadd.s32 s4;
	_ =	sdelay $0x1  }
0xa1: {  	s23 =	simm.s32 $0x1B8B  }
0xa2: {  	_ =	swait.ge [sflag:s23], $0x1  }
0xa3: {  	[sflag:s23] =	ssyncset.done $0x0  }
0xa4: {  	s25 =	simm.s32 $0x1B8E;
	s24 =	sld [smem:$0x3FFE];
	[sflag:s23] =	ssyncadd.s32 $0xFFFFFFFF  }
0xa5: {  	s26 =	simm.s32 $execute0_lowered;
	[smem:$0x3FD2] =	sst s25  }
0xa6: {  	s5 =	sshll.u32 s26, $0x1;
	_ =	strace $0x80000046;
	[dreg:$0x1] =	wrdreg $0xFFFFFFFF  }
0xa7: {  	s28 =	simm.s32 $_size_execute0_lowered;
	s3 =	sadd.s32 s3, s5;
	[dreg:$0x0] =	wrdreg $0x0  }
0xa8: {  	s5 =	sshll.u32 s28, $0x1;
	[dreg:$0x2] =	wrdreg s3  }
0xa9: {  	[dreg:$0x3] =	wrdreg s5  }
0xaa: {  	[dreg:$0x4] =	wrdreg $0xC0  }
0xab: {  	_ =	task [dreg:s7], $0x5FFFF  }
0xac: {  	[dreg:$0x1] =	wrdreg $0xFFFFFFFF  }
0xad: {  	[dreg:$0x0] =	wrdreg $0x60  }
0xae: {  	[dreg:$0x2] =	wrdreg s24  }
0xaf: {  	[dreg:$0x3] =	wrdreg s2  }
0xb0: {  	[dreg:$0x4] =	wrdreg $0x9  }
0xb1: {  	_ =	task.clear_ibuf [dreg:s7], $0x5FFFF;
	_ =	strace $0x90000046  }
0xb2: {  	s29 =	simm.s32 $0x9;
	_ =	strace $0x80000048  }
0xb3: {  	_ =	swait.ge [sflag:s29], $0x1  }
0xb4: {  	[sflag:s29] =	ssyncadd.s32 $0xFFFFFFFF  }
0xb5: {  	_ =	strace $0x90000048  }
0xb6: {  	_ =	sfence  }
0xb7: {  	s30 =	sld [smem:$0x0];
	_ =	sdelay $0x2  }
0xb8: {  	s31 =	sshll.u32 s1, $0xD;
	s1 =	sshrl.u32 s1, $0x2  }
0xb9: {  	s3 =	sand.u32 $0x4000, s31;
	s1 =	sadd.s32 s1, s30  }
0xba: {  	s0 =	sor.u32 s3, s0;
	s1 =	sshll.u32 s1, $0x11  }
0xbb: {  	s0 =	sor.u32 s1, s0  }
0xbc: {  	s0 =	sadd.s32 $0x8F2B, s0  }
0xbd: {  	[sflag:s0] =	ssyncadd.remote.s32 $0x1  }
0xbe: {  	_ =	sfence.sel $0xFFFF  }
0xbf: {  	[dreg:$0x0] =	wrdreg $0xFFFFFFFF;
	(pc) =	sbr.abs _section_cstart, $3  }
0xc0: {  	[dreg:$0x1] =	wrdreg $0xFFFFFFFF  }
0xc1: {  	_ =	task.clear_ibuf [dreg:s7], $0x2FFFF;
	_ =	strace $0x9FFFFFFF  }
0xc2: {  	(tm) =	ssettm $0x7FFFFFFF  }
0xc3: {  	_ =	shalt  }
tec
execute0_lowered:
.L_overlay_start_1:
0x0: {  	(tag) =	ssettag $0x1  }
0x1: {  	s0 =	rddreg [dreg:$0x0]  }
0x2: {  	s1 =	rddreg [dreg:$0x1];
	s2 =	simm.s32 $0x0;
	s17 =	srdreg.scid  }
0x3: {  	s9 =	stileid.u32;
	s15 =	simm.s32 $0x2000;
	s28 =	simm.s32 $0x3  }
0x4: {  	s29 =	simm.s32 $0x2;
	s30 =	simm.s32 $0x4;
	s31 =	simm.s32 $0x1  }
0x5: {  	[smem:$0x7FF] =	sst s2;
	s2 =	sand.u32 $0x1, s17;
	s5 =	sshll.u32 s9, $0x9  }
0x6: {  	s4 =	sadd.s32 $0xC00, s0;
	s8 =	sadd.s32 $0x8, s1;
	s22 =	sshll.u32 s9, $0x10  }
0x7: {  	_ =	strace $0x80000047;
	s3 =	ssub.s32 $0x2, s2;
	s6 =	sshll.u32 s2, $0x8  }
0x8: {  	s2 =	sshll.u32 s2, $0xF;
	s7 =	sshrl.u32 s3, $0x1;
	s5 =	sor.u32 s6, s5  }
0x9: {  	s6 =	sadd.s32 $0x64C00, s0;
	s2 =	sor.u32 s2, s22;
	s22 =	simm.s32 $0x11000  }
0xa: {  	s18 =	ssub.s32 s3, s7;
	s19 =	sshrl.u32 s5, $0x3;
	s20 =	sshll.u32 s5, $0x4  }
0xb: {  	s21 =	sshll.u32 s5, $0x7;
	s25 =	sor.u32 $0x1400000, s2;
	s3 =	sadd.s32 s4, s19  }
0xc: {  	s10 =	sadd.s32 s1, s20;
	s11 =	sor.u32 $0xFFF00000, s21;
	[dreg:$0x3] =	wrdreg s3  }
0xd: {  	s0 =	smax.u32 s18, $0x1;
	s18 =	simm.s32 $0x100;
	[dreg:$0x4] =	wrdreg s10  }
0xe: {  	s21 =	simm.s32 $0xD000;
	s3 =	sadd.s32 s20, s8;
	[dreg:$0x8] =	wrdreg s0  }
0xf: {  	s23 =	sadd.s32 $0x18E0000, s10;
	s24 =	sadd.s32 $0x18E0008, s10;
	[dreg:$0x5] =	wrdreg s3  }
0x10: {  	s0 =	sshrl.u32 s25, $0x3;
	s20 =	simm.s32 $0x5;
	[dreg:$0x6] =	wrdreg s23  }
0x11: {  	s25 =	simm.s32 $0x5000;
	[dreg:$0x7] =	wrdreg s24;
	s3 =	sor.u32 $0x1300000, s2  }
0x12: {  	s2 =	sshrl.u32 s2, $0x3;
	s0 =	sadd.s32 s0, s8;
	s23 =	simm.s32 $0x40  }
0x13: {  	s3 =	sshrl.u32 s3, $0x3;
	s2 =	sadd.s32 s2, s8;
	[dreg:$0xa] =	wrdreg s0  }
0x14: {  	s24 =	simm.s32 $0x80;
	[dreg:$0x9] =	wrdreg s2;
	s26 =	sadd.s32 s3, s8  }
0x15: {  	s2 =	simm.s32 $0x0;
	[dreg:$0xb] =	wrdreg s26;
	s26 =	simm.s32 $0x9000  }
.LBB2_1:
0x16: {  	[dreg:$0xc] =	wrdreg s2  }
0x17: {  	s0 =	simm.s32 $0x0;
	s16 =	rddreg [dreg:$0x3]  }
0x18: {  	[tilespmem:s0], [sflag:$0x5] =	stream.strided.gather [hbm4b:s16+s18], $0x2800, s15, s18, $0x38;
	[tilespmem:$0x15000] =	vst v63  }
0x19: {  	_ =	swait.ge [sflag:s20], $0x2800  }
0x1a: {  	[sflag:s20] =	ssyncset.done $0x0;
	s17 =	rddreg [dreg:$0x4]  }
0x1b: {  	s19 =	rddreg [dreg:$0x5];
	[sflag:s20] =	ssyncadd.s32 $0xFFFFD800  }
0x1c: {  	[tilespmem:s21], [sflag:$0x2] =	stream.indirect.gather [hbm4b:s6+s18], $0x40, s0, s18, $0xb8;
	[tilespmem:$0x15000] =	vst v63  }
0x1d: {  	s16 =	rddreg [dreg:$0xa]  }
0x1e: {  	[tilespmem:s22], [sflag:$0x2] =	stream.indirect.gather [hbm4b:s6+s18], $0x40, s18, s18, $0xb8;
	[tilespmem:$0x15000] =	vst v63  }
0x1f: {  	s9 =	rddreg [dreg:$0x9]  }
0x20: {  	[hbm4b:s17+s23] =	stream.strided.scatter [tilespmem:s25], [sflag:$0x3], $0x4000, s24, s23, $0x38;
	[tilespmem:$0x15000] =	vst v63  }
0x21: {  	s10 =	simm.s32 $0x0;
	s13 =	simm.s32 $0x0;
	s17 =	rddreg [dreg:$0xb]  }
0x22: {  	[hbm4b:s19+s23] =	stream.strided.scatter [tilespmem:s26], [sflag:$0x3], $0x4000, s24, s23, $0x38;
	[tilespmem:$0x15000] =	vst v63  }
.LBB2_2:
0x23: {  	s3 =	smul.u32 $0xA0000, s13;
	_ =	sdelay $0x1  }
0x24: {  	s3 =	sor.u32 s5, s3  }
0x25: {  	s3 =	sshrl.u32 s3, $0x3  }
0x26: {  	s7 =	simm.s32 $0x0;
	s3 =	sadd.s32 s4, s3  }
0x27: {  	[tilespmem:s7], [sflag:$0x5] =	stream.strided.gather [hbm4b:s3+s18], $0x2800, s15, s18, $0x38;
	[tilespmem:$0x15000] =	vst v63  }
0x28: {  	_ =	swait.ge [sflag:s20], $0x2800  }
0x29: {  	[sflag:s20] =	ssyncset.done $0x0  }
0x2a: {  	[sflag:s20] =	ssyncadd.s32 $0xFFFFD800  }
0x2b: {  	_ =	swait.ge [sflag:s28], $0x4000  }
0x2c: {  	[sflag:s28] =	ssyncset.done $0x0  }
0x2d: {  	[sflag:s28] =	ssyncadd.s32 $0xFFFFC000  }
0x2e: {  	_ =	swait.ge [sflag:s28], $0x4000  }
0x2f: {  	[sflag:s28] =	ssyncset.done $0x0  }
0x30: {  	s2 =	simm.s32 $0x0;
	[sflag:s28] =	ssyncadd.s32 $0xFFFFC000  }
0x31: {  	[tilespmem:s25], [sflag:$0x1] =	stream.indirect.gather [hbm4b:s6+s18], $0x40, s2, s18, $0xb8;
	[tilespmem:$0x15000] =	vst v63  }
0x32: {  	s7 =	simm.s32 $0x100  }
0x33: {  	[tilespmem:s26], [sflag:$0x1] =	stream.indirect.gather [hbm4b:s6+s18], $0x40, s7, s18, $0xb8;
	[tilespmem:$0x15000] =	vst v63  }
0x34: {  	p0 =	sgt.s32 s10, $0x1;
	s3 =	smov.u32 s10;
	_ =	swait.ge [sflag:s29], $0x4000  }
0x35: {  	s3 =	simm.s32 @!p0 $0x1;
	[sflag:s29] =	ssyncset.done $0x0  }
0x36: {  	s3 =	sshll.u32 s3, $0x14;
	[sflag:s29] =	ssyncadd.s32 $0xFFFFC000  }
0x37: {  	s3 =	sadd.s32 s11, s3;
	_ =	swait.ge [sflag:s29], $0x4000  }
0x38: {  	s3 =	sshrl.u32 s3, $0x3;
	[sflag:s29] =	ssyncset.done $0x0  }
0x39: {  	s12 =	sadd.s32 s1, s3;
	[sflag:s29] =	ssyncadd.s32 $0xFFFFC000  }
0x3a: {  	[hbm4b:s12+s23] =	stream.strided.scatter [tilespmem:s21], [sflag:$0x4], $0x4000, s24, s23, $0x38;
	[tilespmem:$0x15000] =	vst v63  }
0x3b: {  	s3 =	sadd.s32 s3, s8  }
0x3c: {  	[hbm4b:s3+s23] =	stream.strided.scatter [tilespmem:s22], [sflag:$0x4], $0x4000, s24, s23, $0x38;
	[tilespmem:$0x15000] =	vst v63  }
0x3d: {  	_ =	swait.ge [sflag:s30], $0x4000  }
0x3e: {  	[sflag:s30] =	ssyncset.done $0x0  }
0x3f: {  	[sflag:s30] =	ssyncadd.s32 $0xFFFFC000  }
0x40: {  	_ =	swait.ge [sflag:s30], $0x4000  }
0x41: {  	[sflag:s30] =	ssyncset.done $0x0  }
0x42: {  	s14 =	simm.s32 $0x200;
	[sflag:s30] =	ssyncadd.s32 $0xFFFFC000  }
0x43: {  	[tilespmem:s21], [sflag:$0x2] =	stream.indirect.gather [hbm4b:s6+s18], $0x40, s14, s18, $0xb8;
	[tilespmem:$0x15000] =	vst v63  }
0x44: {  	s15 =	simm.s32 $0x300  }
0x45: {  	[tilespmem:s22], [sflag:$0x2] =	stream.indirect.gather [hbm4b:s6+s18], $0x40, s15, s18, $0xb8;
	[tilespmem:$0x15000] =	vst v63  }
0x46: {  	_ =	swait.ge [sflag:s31], $0x4000  }
0x47: {  	[sflag:s31] =	ssyncset.done $0x0  }
0x48: {  	[sflag:s31] =	ssyncadd.s32 $0xFFFFC000  }
0x49: {  	s19 =	sadd.s32 $0xFFFFFFF8, s9;
	s7 =	sadd.s32 $0x40000, s9;
	_ =	swait.ge [sflag:s31], $0x4000  }
0x4a: {  	s12 =	simm.s32 $0x1000;
	s3 =	sadd.s32 $0x2, s10;
	[sflag:s31] =	ssyncset.done $0x0  }
0x4b: {  	s14 =	smul.u32 $0x28, s13;
	s15 =	smov.u32 s9;
	[sflag:s31] =	ssyncadd.s32 $0xFFFFC000  }
0x4c: {  	[hbm4b:s19+s23] =	stream.strided.scatter [tilespmem:s25], [sflag:$0x3], $0x4000, s24, s23, $0x38;
	[tilespmem:$0x15000] =	vst v63  }
.LBB2_3:
0x4d: {  	[hbm4b:s15+s23] =	stream.strided.scatter [tilespmem:s26], [sflag:$0x3], $0x4000, s24, s23, $0x38;
	[tilespmem:$0x15000] =	vst v63  }
0x4e: {  	s2 =	smov.u32 s12;
	s15 =	smov.u32 s7  }
0x4f: {  	p0 =	sne.s32 s12, $0x9000;
	s12 =	sadd.s32 $0x1000, s12;
	_ =	swait.ge [sflag:s28], $0x4000  }
0x50: {  	[sflag:s28] =	ssyncset.done $0x0  }
0x51: {  	[sflag:s28] =	ssyncadd.s32 $0xFFFFC000  }
0x52: {  	_ =	swait.ge [sflag:s28], $0x4000  }
0x53: {  	[sflag:s28] =	ssyncset.done $0x0  }
0x54: {  	s2 =	sshra.s32 s2, $0x2;
	[sflag:s28] =	ssyncadd.s32 $0xFFFFC000  }
0x55: {  	[tilespmem:s25], [sflag:$0x1] =	stream.indirect.gather [hbm4b:s6+s18], $0x40, s2, s18, $0xb8;
	[tilespmem:$0x15000] =	vst v63  }
0x56: {  	s0 =	sadd.s32 $0x100, s2  }
0x57: {  	[tilespmem:s26], [sflag:$0x1] =	stream.indirect.gather [hbm4b:s6+s18], $0x40, s0, s18, $0xb8;
	[tilespmem:$0x15000] =	vst v63  }
0x58: {  	p1 =	sgt.s32 s3, $0x1;
	s0 =	smov.u32 s3;
	_ =	swait.ge [sflag:s29], $0x4000  }
0x59: {  	s0 =	simm.s32 @!p1 $0x1;
	[sflag:s29] =	ssyncset.done $0x0  }
0x5a: {  	s0 =	sshll.u32 s0, $0x14;
	[sflag:s29] =	ssyncadd.s32 $0xFFFFC000  }
0x5b: {  	s0 =	sadd.s32 s11, s0;
	_ =	swait.ge [sflag:s29], $0x4000  }
0x5c: {  	s0 =	sshrl.u32 s0, $0x3;
	[sflag:s29] =	ssyncset.done $0x0  }
0x5d: {  	s19 =	sadd.s32 s1, s0;
	[sflag:s29] =	ssyncadd.s32 $0xFFFFC000  }
0x5e: {  	[hbm4b:s19+s23] =	stream.strided.scatter [tilespmem:s21], [sflag:$0x4], $0x4000, s24, s23, $0x38;
	[tilespmem:$0x15000] =	vst v63  }
0x5f: {  	s0 =	sadd.s32 s0, s8  }
0x60: {  	[hbm4b:s0+s23] =	stream.strided.scatter [tilespmem:s22], [sflag:$0x4], $0x4000, s24, s23, $0x38;
	[tilespmem:$0x15000] =	vst v63  }
0x61: {  	_ =	swait.ge [sflag:s30], $0x4000  }
0x62: {  	[sflag:s30] =	ssyncset.done $0x0  }
0x63: {  	[sflag:s30] =	ssyncadd.s32 $0xFFFFC000  }
0x64: {  	_ =	swait.ge [sflag:s30], $0x4000  }
0x65: {  	[sflag:s30] =	ssyncset.done $0x0  }
0x66: {  	s0 =	sadd.s32 $0x200, s2;
	[sflag:s30] =	ssyncadd.s32 $0xFFFFC000  }
0x67: {  	[tilespmem:s21], [sflag:$0x2] =	stream.indirect.gather [hbm4b:s6+s18], $0x40, s0, s18, $0xb8;
	[tilespmem:$0x15000] =	vst v63  }
0x68: {  	s0 =	sadd.s32 $0x300, s2  }
0x69: {  	[tilespmem:s22], [sflag:$0x2] =	stream.indirect.gather [hbm4b:s6+s18], $0x40, s0, s18, $0xb8;
	[tilespmem:$0x15000] =	vst v63  }
0x6a: {  	_ =	swait.ge [sflag:s31], $0x4000  }
0x6b: {  	[sflag:s31] =	ssyncset.done $0x0  }
0x6c: {  	[sflag:s31] =	ssyncadd.s32 $0xFFFFC000  }
.Ltmp0:
0x6d: {  	_ =	swait.ge [sflag:s31], $0x4000;
	(pc) =	sbr.rel @p0 .LBB2_3-.Ltmp0, $4  }
0x6e: {  	[sflag:s31] =	ssyncset.done $0x0  }
0x6f: {  	s0 =	sadd.s32 $0xFFFFFFF8, s7;
	[sflag:s31] =	ssyncadd.s32 $0xFFFFC000  }
0x70: {  	[hbm4b:s0+s23] =	stream.strided.scatter [tilespmem:s25], [sflag:$0x3], $0x4000, s24, s23, $0x38;
	[tilespmem:$0x15000] =	vst v63  }
0x71: {  	s3 =	sadd.s32 $0x2, s3;
	s7 =	sadd.s32 $0x40000, s7  }
0x72: {  	[hbm4b:s15+s23] =	stream.strided.scatter [tilespmem:s26], [sflag:$0x3], $0x4000, s24, s23, $0x38;
	[tilespmem:$0x15000] =	vst v63  }
0x73: {  	s0 =	sshll.u32 s14, $0xE  }
0x74: {  	s0 =	sor.u32 s5, s0  }
0x75: {  	s0 =	sadd.s32 $0x50000, s0  }
0x76: {  	s0 =	sshrl.u32 s0, $0x3  }
0x77: {  	s15 =	simm.s32 $0x2000;
	s2 =	simm.s32 $0x2800;
	s0 =	sadd.s32 s4, s0  }
0x78: {  	[tilespmem:s2], [sflag:$0x5] =	stream.strided.gather [hbm4b:s0+s18], $0x2800, s15, s18, $0x38;
	[tilespmem:$0x15000] =	vst v63  }
0x79: {  	_ =	swait.ge [sflag:s20], $0x2800  }
0x7a: {  	[sflag:s20] =	ssyncset.done $0x0  }
0x7b: {  	[sflag:s20] =	ssyncadd.s32 $0xFFFFD800  }
0x7c: {  	_ =	swait.ge [sflag:s28], $0x4000  }
0x7d: {  	[sflag:s28] =	ssyncset.done $0x0  }
0x7e: {  	[sflag:s28] =	ssyncadd.s32 $0xFFFFC000  }
0x7f: {  	_ =	swait.ge [sflag:s28], $0x4000  }
0x80: {  	[sflag:s28] =	ssyncset.done $0x0  }
0x81: {  	s2 =	simm.s32 $0x2800;
	[sflag:s28] =	ssyncadd.s32 $0xFFFFC000  }
0x82: {  	[tilespmem:s25], [sflag:$0x1] =	stream.indirect.gather [hbm4b:s6+s18], $0x40, s2, s18, $0xb8;
	[tilespmem:$0x15000] =	vst v63  }
0x83: {  	s3 =	simm.s32 $0x2900  }
0x84: {  	[tilespmem:s26], [sflag:$0x1] =	stream.indirect.gather [hbm4b:s6+s18], $0x40, s3, s18, $0xb8;
	[tilespmem:$0x15000] =	vst v63  }
0x85: {  	_ =	swait.ge [sflag:s29], $0x4000  }
0x86: {  	[sflag:s29] =	ssyncset.done $0x0  }
0x87: {  	[sflag:s29] =	ssyncadd.s32 $0xFFFFC000  }
0x88: {  	_ =	swait.ge [sflag:s29], $0x4000  }
0x89: {  	[sflag:s29] =	ssyncset.done $0x0  }
0x8a: {  	s7 =	sadd.s32 $0xFFFFFFF8, s17;
	[sflag:s29] =	ssyncadd.s32 $0xFFFFC000  }
0x8b: {  	[hbm4b:s7+s23] =	stream.strided.scatter [tilespmem:s21], [sflag:$0x4], $0x4000, s24, s23, $0x38;
	[tilespmem:$0x15000] =	vst v63  }
0x8c: {  	_ = 	snop  }
0x8d: {  	[hbm4b:s17+s23] =	stream.strided.scatter [tilespmem:s22], [sflag:$0x4], $0x4000, s24, s23, $0x38;
	[tilespmem:$0x15000] =	vst v63  }
0x8e: {  	_ =	swait.ge [sflag:s30], $0x4000  }
0x8f: {  	[sflag:s30] =	ssyncset.done $0x0  }
0x90: {  	[sflag:s30] =	ssyncadd.s32 $0xFFFFC000  }
0x91: {  	_ =	swait.ge [sflag:s30], $0x4000  }
0x92: {  	[sflag:s30] =	ssyncset.done $0x0  }
0x93: {  	s12 =	simm.s32 $0x2A00;
	[sflag:s30] =	ssyncadd.s32 $0xFFFFC000  }
0x94: {  	[tilespmem:s21], [sflag:$0x2] =	stream.indirect.gather [hbm4b:s6+s18], $0x40, s12, s18, $0xb8;
	[tilespmem:$0x15000] =	vst v63  }
0x95: {  	s14 =	simm.s32 $0x2B00  }
0x96: {  	[tilespmem:s22], [sflag:$0x2] =	stream.indirect.gather [hbm4b:s6+s18], $0x40, s14, s18, $0xb8;
	[tilespmem:$0x15000] =	vst v63  }
0x97: {  	_ =	swait.ge [sflag:s31], $0x4000  }
0x98: {  	[sflag:s31] =	ssyncset.done $0x0  }
0x99: {  	[sflag:s31] =	ssyncadd.s32 $0xFFFFC000  }
0x9a: {  	s19 =	sadd.s32 $0xFFFFFFF8, s16;
	_ =	swait.ge [sflag:s31], $0x4000  }
0x9b: {  	s3 =	simm.s32 $0x1000;
	s7 =	sadd.s32 $0x40000, s16;
	[sflag:s31] =	ssyncset.done $0x0  }
0x9c: {  	s12 =	sadd.s32 $0x40000, s17;
	s14 =	smov.u32 s16;
	[sflag:s31] =	ssyncadd.s32 $0xFFFFC000  }
0x9d: {  	[hbm4b:s19+s23] =	stream.strided.scatter [tilespmem:s25], [sflag:$0x3], $0x4000, s24, s23, $0x38;
	[tilespmem:$0x15000] =	vst v63  }
.LBB2_5:
0x9e: {  	[hbm4b:s14+s23] =	stream.strided.scatter [tilespmem:s26], [sflag:$0x3], $0x4000, s24, s23, $0x38;
	[tilespmem:$0x15000] =	vst v63  }
0x9f: {  	s0 =	smov.u32 s3;
	s14 =	smov.u32 s7  }
0xa0: {  	p0 =	sne.s32 s3, $0x9000;
	s3 =	sadd.s32 $0x1000, s3;
	_ =	swait.ge [sflag:s28], $0x4000  }
0xa1: {  	[sflag:s28] =	ssyncset.done $0x0  }
0xa2: {  	[sflag:s28] =	ssyncadd.s32 $0xFFFFC000  }
0xa3: {  	_ =	swait.ge [sflag:s28], $0x4000  }
0xa4: {  	s0 =	sshra.s32 s0, $0x2;
	[sflag:s28] =	ssyncset.done $0x0  }
0xa5: {  	s2 =	sadd.s32 $0x2800, s0;
	[sflag:s28] =	ssyncadd.s32 $0xFFFFC000  }
0xa6: {  	[tilespmem:s25], [sflag:$0x1] =	stream.indirect.gather [hbm4b:s6+s18], $0x40, s2, s18, $0xb8;
	[tilespmem:$0x15000] =	vst v63  }
0xa7: {  	s2 =	sadd.s32 $0x2900, s0  }
0xa8: {  	[tilespmem:s26], [sflag:$0x1] =	stream.indirect.gather [hbm4b:s6+s18], $0x40, s2, s18, $0xb8;
	[tilespmem:$0x15000] =	vst v63  }
0xa9: {  	_ =	swait.ge [sflag:s29], $0x4000  }
0xaa: {  	[sflag:s29] =	ssyncset.done $0x0  }
0xab: {  	[sflag:s29] =	ssyncadd.s32 $0xFFFFC000  }
0xac: {  	_ =	swait.ge [sflag:s29], $0x4000  }
0xad: {  	[sflag:s29] =	ssyncset.done $0x0  }
0xae: {  	s2 =	sadd.s32 $0xFFFFFFF8, s12;
	[sflag:s29] =	ssyncadd.s32 $0xFFFFC000  }
0xaf: {  	[hbm4b:s2+s23] =	stream.strided.scatter [tilespmem:s21], [sflag:$0x4], $0x4000, s24, s23, $0x38;
	[tilespmem:$0x15000] =	vst v63  }
0xb0: {  	_ = 	snop  }
0xb1: {  	[hbm4b:s12+s23] =	stream.strided.scatter [tilespmem:s22], [sflag:$0x4], $0x4000, s24, s23, $0x38;
	[tilespmem:$0x15000] =	vst v63  }
0xb2: {  	_ =	swait.ge [sflag:s30], $0x4000  }
0xb3: {  	[sflag:s30] =	ssyncset.done $0x0  }
0xb4: {  	[sflag:s30] =	ssyncadd.s32 $0xFFFFC000  }
0xb5: {  	_ =	swait.ge [sflag:s30], $0x4000  }
0xb6: {  	[sflag:s30] =	ssyncset.done $0x0  }
0xb7: {  	s2 =	sadd.s32 $0x2A00, s0;
	[sflag:s30] =	ssyncadd.s32 $0xFFFFC000  }
0xb8: {  	[tilespmem:s21], [sflag:$0x2] =	stream.indirect.gather [hbm4b:s6+s18], $0x40, s2, s18, $0xb8;
	[tilespmem:$0x15000] =	vst v63  }
0xb9: {  	s0 =	sadd.s32 $0x2B00, s0  }
0xba: {  	[tilespmem:s22], [sflag:$0x2] =	stream.indirect.gather [hbm4b:s6+s18], $0x40, s0, s18, $0xb8;
	[tilespmem:$0x15000] =	vst v63  }
0xbb: {  	_ =	swait.ge [sflag:s31], $0x4000  }
0xbc: {  	[sflag:s31] =	ssyncset.done $0x0  }
0xbd: {  	[sflag:s31] =	ssyncadd.s32 $0xFFFFC000  }
.Ltmp1:
0xbe: {  	_ =	swait.ge [sflag:s31], $0x4000;
	(pc) =	sbr.rel @p0 .LBB2_5-.Ltmp1, $4  }
0xbf: {  	[sflag:s31] =	ssyncset.done $0x0  }
0xc0: {  	s0 =	sadd.s32 $0xFFFFFFF8, s7;
	[sflag:s31] =	ssyncadd.s32 $0xFFFFC000  }
0xc1: {  	[hbm4b:s0+s23] =	stream.strided.scatter [tilespmem:s25], [sflag:$0x3], $0x4000, s24, s23, $0x38;
	[tilespmem:$0x15000] =	vst v63  }
0xc2: {  	s12 =	sadd.s32 $0x40000, s12;
	s7 =	sadd.s32 $0x40000, s7  }
0xc3: {  	s13 =	sadd.s32 $0x1, s13  }
0xc4: {  	p0 =	sne.s32 s13, $0x5  }
.Ltmp2:
0xc5: {  	_ = 	snop;
	(pc) =	sbr.rel @p0 .LBB2_2-.Ltmp2, $4  }
0xc6: {  	_ = 	snop  }
0xc7: {  	[hbm4b:s14+s23] =	stream.strided.scatter [tilespmem:s26], [sflag:$0x3], $0x4000, s24, s23, $0x38;
	[tilespmem:$0x15000] =	vst v63  }
0xc8: {  	s9 =	sadd.s32 $0x500000, s9  }
0xc9: {  	s10 =	sadd.s32 $0x28, s10;
	s16 =	sadd.s32 $0x500000, s16;
	s17 =	sadd.s32 $0x500000, s17  }
0xca: {  	_ =	swait.ge [sflag:s29], $0x4000  }
0xcb: {  	[sflag:s29] =	ssyncset.done $0x0  }
0xcc: {  	[sflag:s29] =	ssyncadd.s32 $0xFFFFC000  }
0xcd: {  	_ =	swait.ge [sflag:s29], $0x4000  }
0xce: {  	[sflag:s29] =	ssyncset.done $0x0  }
0xcf: {  	s0 =	rddreg [dreg:$0x6];
	[sflag:s29] =	ssyncadd.s32 $0xFFFFC000  }
0xd0: {  	[hbm4b:s0+s23] =	stream.strided.scatter [tilespmem:s21], [sflag:$0x4], $0x4000, s24, s23, $0x38;
	[tilespmem:$0x15000] =	vst v63  }
0xd1: {  	s17 =	rddreg [dreg:$0x7]  }
0xd2: {  	[hbm4b:s17+s23] =	stream.strided.scatter [tilespmem:s22], [sflag:$0x4], $0x4000, s24, s23, $0x38;
	[tilespmem:$0x15000] =	vst v63  }
0xd3: {  	_ =	swait.ge [sflag:s28], $0x4000  }
0xd4: {  	[sflag:s28] =	ssyncset.done $0x0  }
0xd5: {  	[sflag:s28] =	ssyncadd.s32 $0xFFFFC000  }
0xd6: {  	_ =	swait.ge [sflag:s28], $0x4000  }
0xd7: {  	[sflag:s28] =	ssyncset.done $0x0  }
0xd8: {  	[sflag:s28] =	ssyncadd.s32 $0xFFFFC000  }
0xd9: {  	_ =	swait.ge [sflag:s30], $0x4000  }
0xda: {  	[sflag:s30] =	ssyncset.done $0x0  }
0xdb: {  	[sflag:s30] =	ssyncadd.s32 $0xFFFFC000  }
0xdc: {  	_ =	swait.ge [sflag:s30], $0x4000  }
0xdd: {  	s2 =	rddreg [dreg:$0xc]  }
0xde: {  	s19 =	rddreg [dreg:$0x8];
	s2 =	sadd.s32 $0x1, s2  }
0xdf: {  	p0 =	sne.s32 s2, s19  }
.Ltmp3:
0xe0: {  	_ = 	snop;
	(pc) =	sbr.rel @p0 .LBB2_1-.Ltmp3, $3  }
0xe1: {  	_ =	sdelay $0x1  }
0xe2: {  	[sflag:s30] =	ssyncset.done $0x0  }
0xe3: {  	[sflag:s30] =	ssyncadd.s32 $0xFFFFC000  }
0xe4: {  	_ =	sfence.sel $0x180000  }
0xe5: {  	[bflag:$0x0] =	sbarrier.arrive $0xFFFF  }
0xe6: {  	_ =	strace $0x90000047  }
0xe7: {  	s0 =	stileid.u32;
	[bflag:$0x2] =	sbarrier.arrive $0xFFFF  }
0xe8: {  	p0 =	sne.s32 s0, $0x0;
	s0 =	rddreg [dreg:$0x2]  }
0xe9: {  	s0 =	sadd.s32 @!p0 $0x100000, s0  }
0xea: {  	[sflag:s0] =	ssyncadd.tile.s32 @!p0 $0x1;
	_ =	shalt  }
.Lfunc_end2:
_tile_overlayer_lowered:
.L_overlay_start_2:
0xeb: {  	(tag) =	ssettag $0x2  }
0xec: {  	s0 =	rddreg [dreg:$0x0];
	s2 =	stileid.u32  }
0xed: {  	s1 =	rddreg [dreg:$0x1];
	p0 =	sne.s32 s2, $0x0  }
0xee: {  	s3 =	rddreg [dreg:$0x2];
	[bflag:$0x3] =	sbarrier.arrive $0xFFFF;
	s2 =	simm.s32 @!p0 $0x1C05  }
0xef: {  	[timem:s3], [sflag:s2] =	dma.local @!p0 [hbm:s0], s1  }
0xf0: {  	s0 =	simm.s32 @!p0 $0x5  }
0xf1: {  	_ =	swait.ge @!p0 [sflag:s0], s1  }
0xf2: {  	s1 =	ssub.s32 @!p0 $0x0, s1;
	[sflag:s0] =	ssyncset.done @!p0 $0x0  }
0xf3: {  	[sflag:s0] =	ssyncadd.s32 @!p0 s1  }
0xf4: {  	[bflag:$0x3] =	sbarrier.arrive $0xFFFF  }
0xf5: {  	_ =	shalt  }

// kernel: sparse-core-data-format-call.1.cloned.1.call-start
scs
called_computation.1_lowered:
.L_overlay_start_0:
0x0: {  	s2 =	sld [smem:$0x3FD9]  }
0x1: {  	s3 =	sld [smem:$0x3FFE];
	_ =	sdelay $0x1  }
0x2: {  	s1 =	srdreg.scid  }
0x3: {  	s0 =	sand.u32 $0x1, s1  }
0x4: {  	s18 =	sshll.u32 s0, $0xA;
	s2 =	sadd.s32 s3, s2  }
0x5: {  	s2 =	sadd.s32 s2, s18  }
0x6: {  	[smem:$0x3FC6] =	sst s2  }
0x7: {  	_ = 	snop  }
0x8: {  	s2 =	sld [smem:$0x3FD0];
	(tm) =	ssettm $0x1  }
0x9: {  	s19 =	sld [smem:$0x3FFB];
	_ =	sdelay $0x3  }
0xa: {  	_ =	strace s19  }
0xb: {  	s3 =	sld [smem:$0x3FFC];
	_ =	sdelay $0x3  }
0xc: {  	_ =	strace s3  }
0xd: {  	s3 =	sld [smem:$0x3FFD];
	_ =	sdelay $0x3  }
0xe: {  	_ =	strace s3  }
0xf: {  	_ =	strace $0x8FFFFFFF  }
0x10: {  	s20 =	sld [smem:$0x3FDB];
	_ =	sdelay $0x1  }
0x11: {  	s4 =	simm.s32 $_scs_section_size  }
0x12: {  	s5 =	simm.s32 $_size__tile_overlayer_lowered;
	s6 =	simm.s32 $_tile_overlayer_lowered  }
0x13: {  	s23 =	simm.s32 $0x1BFF;
	s22 =	sshll.u32 s6, $0x1;
	s3 =	sadd.s32 s4, s20  }
0x14: {  	s7 =	simm.s32 $0x0;
	s21 =	sshll.u32 s5, $0x1;
	s5 =	sadd.s32 s22, s3  }
0x15: {  	[timem:s7], [sflag:s23] =	dma.local [hbm:s5], s21  }
0x16: {  	_ =	swait.ge [sflag:s23], s21  }
0x17: {  	s4 =	ssub.s32 $0x0, s21;
	[sflag:s23] =	ssyncset.done $0x0  }
0x18: {  	[sflag:s23] =	ssyncadd.s32 s4;
	_ =	sdelay $0x1  }
0x19: {  	s24 =	simm.s32 $0x1B8B  }
0x1a: {  	_ =	swait.ge [sflag:s24], $0x1  }
0x1b: {  	[sflag:s24] =	ssyncset.done $0x0  }
0x1c: {  	s26 =	simm.s32 $0x1B8E;
	s25 =	sld [smem:$0x3FFE];
	[sflag:s24] =	ssyncadd.s32 $0xFFFFFFFF  }
0x1d: {  	s27 =	simm.s32 $execute0_lowered;
	[smem:$0x3FD2] =	sst s26  }
0x1e: {  	s5 =	sshll.u32 s27, $0x1;
	_ =	strace $0x80000049;
	[dreg:$0x1] =	wrdreg $0xFFFFFFFF  }
0x1f: {  	s28 =	simm.s32 $_size_execute0_lowered;
	s3 =	sadd.s32 s3, s5;
	[dreg:$0x0] =	wrdreg $0x0  }
0x20: {  	s5 =	sshll.u32 s28, $0x1;
	[dreg:$0x2] =	wrdreg s3  }
0x21: {  	[dreg:$0x3] =	wrdreg s5  }
0x22: {  	[dreg:$0x4] =	wrdreg $0xC0  }
0x23: {  	_ =	task [dreg:s7], $0x5FFFF  }
0x24: {  	[dreg:$0x1] =	wrdreg $0xFFFFFFFF  }
0x25: {  	[dreg:$0x0] =	wrdreg $0x60  }
0x26: {  	[dreg:$0x2] =	wrdreg s2  }
0x27: {  	[dreg:$0x3] =	wrdreg s25  }
0x28: {  	[dreg:$0x4] =	wrdreg $0x9  }
0x29: {  	_ =	task.clear_ibuf [dreg:s7], $0x5FFFF;
	_ =	strace $0x90000049  }
0x2a: {  	s29 =	simm.s32 $0x9;
	_ =	strace $0x8000004B  }
0x2b: {  	_ =	swait.ge [sflag:s29], $0x1  }
0x2c: {  	[sflag:s29] =	ssyncadd.s32 $0xFFFFFFFF  }
0x2d: {  	_ =	strace $0x9000004B  }
0x2e: {  	_ =	sfence  }
0x2f: {  	s30 =	sld [smem:$0x0];
	_ =	sdelay $0x2  }
0x30: {  	s31 =	sshll.u32 s1, $0xD;
	s1 =	sshrl.u32 s1, $0x2  }
0x31: {  	s3 =	sand.u32 $0x4000, s31;
	s1 =	sadd.s32 s1, s30  }
0x32: {  	s0 =	sor.u32 s3, s0;
	s1 =	sshll.u32 s1, $0x11  }
0x33: {  	s0 =	sor.u32 s1, s0  }
0x34: {  	s0 =	sadd.s32 $0x8F2B, s0  }
0x35: {  	[sflag:s0] =	ssyncadd.remote.s32 $0x1  }
0x36: {  	_ =	sfence.sel $0xFFFF  }
0x37: {  	[dreg:$0x0] =	wrdreg $0xFFFFFFFF;
	(pc) =	sbr.abs _section_cstart, $3  }
0x38: {  	[dreg:$0x1] =	wrdreg $0xFFFFFFFF  }
0x39: {  	_ =	task.clear_ibuf [dreg:s7], $0x2FFFF;
	_ =	strace $0x9FFFFFFF  }
0x3a: {  	(tm) =	ssettm $0x7FFFFFFF  }
0x3b: {  	_ =	shalt  }
tec
execute0_lowered:
.L_overlay_start_1:
0x0: {  	(tag) =	ssettag $0x1  }
0x1: {  	s2 =	rddreg [dreg:$0x0];
	s0 =	srdreg.scid  }
0x2: {  	s3 =	rddreg [dreg:$0x1];
	s1 =	stileid.u32  }
0x3: {  	s5 =	simm.s32 $0x1;
	s7 =	simm.s32 $0x2;
	s11 =	simm.s32 $0x0  }
0x4: {  	p0 =	por $0x0, $0x0;
	s12 =	simm.s32 $0x0;
	s8 =	simm.s32 $0x0  }
.Ltmp0:
0x5: {  	s4 =	sshll.u32 s0, $0x4;
	s0 =	rddreg [dreg:$0x2];
	(pc) =	sbr.rel .LBB1_1-.Ltmp0, $4  }
0x6: {  	_ =	strace $0x8000004A;
	s3 =	sadd.s32 $0xC00, s3;
	s4 =	sand.u32 $0x10, s4  }
0x7: {  	s6 =	sshll.u32 s1, $0x7;
	[sflag:s5] =	ssyncpa.u1 $0x0;
	s4 =	sor.u32 s1, s4  }
0x8: {  	s6 =	sand.u32 $0x80, s6;
	[sflag:s7] =	ssyncpa.u1 $0x0;
	s4 =	sshrl.u32 s4, $0x1  }
0x9: {  	s7 =	simm.s32 $0x800;
	s10 =	smov.u32 s6;
	s9 =	smov.u32 s4  }
.LBB1_5:
0xa: {  	s13 =	sadd.s32 $0x10, s9  }
0xb: {  	s11 =	sadd.s32 $0x100, s10;
	s15 =	smov.u32 s10;
	p2 =	sgt.s32 s13, $0x1FFF  }
0xc: {  	p1 =	slt.u32 s8, $0x2;
	s15 =	smov.u32 @p2 s11  }
0xd: {  	s8 =	sadd.s32 $0x1, s8;
	s13 =	smov.u32 @p2 s4;
	p2 =	sgt.s32 s15, $0xC7  }
0xe: {  	s15 =	smov.u32 @p2 s6;
	p2 =	sne.s32 s8, $0x202  }
.Ltmp1:
0xf: {  	_ = 	snop;
	(pc) =	sbr.rel @!p2 .LBB1_6-.Ltmp1, $4  }
0x10: {  	s14 =	simm.s32 @!p1 $0x2  }
0x11: {  	s12 =	smov.u32 s10;
	_ =	swait.ge @!p1 [sflag:s14], $0x4000  }
0x12: {  	p0 =	por !p0, !p0;
	s11 =	smov.u32 s9;
	[sflag:s14] =	ssyncset.done @!p1 $0x0  }
0x13: {  	s9 =	smov.u32 s13;
	[sflag:s14] =	ssyncadd.s32 @!p1 $0xFFFFC000;
	s10 =	smov.u32 s15  }
.LBB1_1:
0x14: {  	p1 =	sgt.u32 s8, $0x1FF  }
0x15: {  	p2 =	sgt.s32 @!p1 s10, $0x48  }
0x16: {  	s13 =	smov.u32 s10;
	s15 =	smov.u32 s9;
	p2 =	por !p2, p1  }
0x17: {  	s14 =	sshra.s32 @!p1 s10, $0x1F;
	s13 =	simm.s32 @p2 $0x48;
	p2 =	sgt.s32 @!p1 s9, $0x1FFF  }
0x18: {  	s16 =	sshra.s32 @!p1 s9, $0x1F;
	s14 =	sand.u32 @!p1 s14, s10;
	p2 =	por !p2, p1  }
0x19: {  	s13 =	ssub.s32 @!p1 s13, s14;
	s14 =	sand.u32 @!p1 s16, s9;
	s15 =	simm.s32 @p2 $0x1FFF  }
0x1a: {  	s16 =	sshll.u32 @!p1 s9, $0x4;
	s13 =	sadd.s32 @!p1 $0xFFFFFFB8, s13;
	s14 =	ssub.s32 @!p1 s15, s14  }
0x1b: {  	p2 =	sgt.s32 @!p1 s13, $0x7F;
	s13 =	sshll.u32 @!p1 s13, $0x7;
	s15 =	sadd.s32 @!p1 $0xFFFFE001, s14  }
0x1c: {  	s14 =	ssub.s32 @!p1 $0x2000, s14;
	s13 =	ssub.s32 @!p1 $0x4000, s13;
	p3 =	sgt.s32 @!p1 s15, $0x0  }
0x1d: {  	p2 =	por !p2, p1;
	s15 =	sxor.u32 @!p1 $0xFFFFFFFF, s8;
	p3 =	por !p3, p1  }
0x1e: {  	s13 =	simm.s32 @!p2 $0x0;
	s15 =	sshll.u32 @!p1 s15, $0xE;
	s14 =	simm.s32 @!p3 $0x0  }
0x1f: {  	s13 =	smul.u32 @!p1 s14, s13;
	s14 =	sand.u32 @!p1 $0x4000, s15;
	s15 =	sshll.u32 @!p1 s10, $0x11  }
0x20: {  	s17 =	simm.s32 @!p1 $0x100000;
	s16 =	sand.u32 @!p1 $0x1FFF0, s16;
	s15 =	sadd.s32 @!p1 s2, s15  }
0x21: {  	s13 =	sand.u32 @!p1 $0x3FFFFF80, s13;
	s15 =	sadd.s32 @!p1 s16, s15;
	s16 =	simm.s32 @!p1 $0x80  }
0x22: {  	[tilespmem:s14], [sflag:$0x1] =	stream.strided.gather @!p1 [hbm4b:s15+s16], s13, s17, s16, $0x38;
	[tilespmem:$0x10100] =	vst v63  }
0x23: {  	p1 =	seq.s32 s8, $0x0  }
0x24: {  	p2 =	seq.s32 @!p1 s8, $0x201  }
0x25: {  	p1 =	por p1, p2  }
.Ltmp2:
0x26: {  	_ = 	snop;
	(pc) =	sbr.rel @p1 .LBB1_5-.Ltmp2, $1  }
0x27: {  	_ =	sdelay $0x3  }
0x28: {  	p1 =	sgt.s32 s12, $0x48;
	s13 =	smov.u32 s12  }
0x29: {  	s14 =	sshra.s32 s12, $0x1F;
	s15 =	smov.u32 s11;
	s16 =	sshra.s32 s11, $0x1F  }
0x2a: {  	s13 =	simm.s32 @!p1 $0x48;
	s14 =	sand.u32 s14, s12;
	p1 =	sgt.s32 s11, $0x1FFF  }
0x2b: {  	s27 =	sand.u32 s16, s11;
	s13 =	ssub.s32 s13, s14;
	s15 =	simm.s32 @!p1 $0x1FFF  }
0x2c: {  	s13 =	sadd.s32 $0xFFFFFFB8, s13;
	s14 =	ssub.s32 s15, s27  }
0x2d: {  	p1 =	sgt.s32 s13, $0x7F;
	s15 =	sadd.s32 $0xFFFFE001, s14;
	s13 =	sshll.u32 s13, $0x7  }
0x2e: {  	s14 =	ssub.s32 $0x2000, s14;
	p2 =	sgt.s32 s15, $0x0;
	s13 =	ssub.s32 $0x4000, s13  }
0x2f: {  	s14 =	simm.s32 @p2 $0x0;
	s13 =	simm.s32 @p1 $0x0  }
0x30: {  	s13 =	smul.u32 s14, s13;
	_ =	sdelay $0x1  }
0x31: {  	s14 =	simm.s32 $0x1;
	s13 =	sand.u32 $0x3FFFFF80, s13  }
0x32: {  	s14 =	simm.s32 @!p0 $0x0;
	_ =	swait.ge [sflag:s5], s13  }
0x33: {  	s28 =	sshll.u32 s14, $0xE;
	s13 =	ssub.s32 $0x0, s13;
	[sflag:s5] =	ssyncset.done $0x0  }
0x34: {  	s29 =	sor.u32 $0x40, s28;
	[sflag:s5] =	ssyncadd.s32 s13  }
0x35: {  	s30 =	smul.u32 $0x10200, s14;
	v0 =	vld [tilespmem:s29+$0x30]  }
0x36: {  	v3 =	vld [tilespmem:s29+$0xFFFFFFD0]  }
0x37: {  	s13 =	sshrl.u32 s30, $0x2;
	v4 =	vld [tilespmem:s29+$0xFFFFFFE0]  }
0x38: {  	s14 =	sor.u32 $0x8000, s13;
	v5 =	vld [tilespmem:s29+$0xFFFFFFF0]  }
0x39: {  	s31 =	sand.u32 $0x1, s8;
	v1 =	vld [tilespmem:s29+$0x0];
	s15 =	sadd.s32 $0x0, s14  }
0x3a: {  	s13 =	smul.u32 $0x10200, s31;
	v2 =	vld [tilespmem:s29+$0x10];
	[tilespmem:s15+$0x3870 ss:$0x81] =	vst.msk $0xffff, v0  }
0x3b: {  	[tilespmem:s15+$0x810 ss:$0x81] =	vst.msk $0xffff, v3;
	v3 =	vld [tilespmem:s29+$0x20]  }
0x3c: {  	s16 =	sadd.s32 $0x80, s29;
	s13 =	sshrl.u32 s13, $0x2;
	v0 =	vld [tilespmem:s29+$0xFFFFFFC0];
	[tilespmem:s15+$0x1020 ss:$0x81] =	vst.msk $0xffff, v4  }
0x3d: {  	s17 =	simm.s32 $0x4;
	s18 =	simm.s32 $0x8;
	s13 =	sor.u32 $0x8000, s13;
	v4 =	vld [tilespmem:s16+$0x30];
	[tilespmem:s15+$0x1830 ss:$0x81] =	vst.msk $0xffff, v5  }
.LBB1_3:
0x3e: {  	p1 =	sne.s32 s18, $0x1FC;
	v5 =	vld [tilespmem:s16+$0xFFFFFFD0];
	[tilespmem:s15+$0x2040 ss:$0x81] =	vst.msk $0xffff, v1  }
0x3f: {  	v6 =	vld [tilespmem:s16+$0xFFFFFFE0];
	[tilespmem:s15+$0x2850 ss:$0x81] =	vst.msk $0xffff, v2  }
0x40: {  	s19 =	sshra.s32 s17, $0x2;
	s17 =	smov.u32 s18;
	v7 =	vld [tilespmem:s16+$0xFFFFFFF0];
	[tilespmem:s15+$0x3060 ss:$0x81] =	vst.msk $0xffff, v3  }
.Ltmp3:
0x41: {  	v1 =	vld [tilespmem:s16+$0x0];
	[tilespmem:s15+$0x0 ss:$0x81] =	vst.msk $0xffff, v0;
	s15 =	sadd.s32 s19, s14;
	(pc) =	sbr.rel @p1 .LBB1_3-.Ltmp3, $4  }
0x42: {  	v2 =	vld [tilespmem:s16+$0x10];
	[tilespmem:s15+$0x3870 ss:$0x81] =	vst.msk $0xffff, v4  }
0x43: {  	[tilespmem:s15+$0x810 ss:$0x81] =	vst.msk $0xffff, v5;
	v3 =	vld [tilespmem:s16+$0x20]  }
0x44: {  	v0 =	vld [tilespmem:s16+$0xFFFFFFC0];
	[tilespmem:s15+$0x1020 ss:$0x81] =	vst.msk $0xffff, v6;
	s16 =	sadd.s32 $0x80, s16  }
0x45: {  	s18 =	sadd.s32 $0x4, s18;
	v4 =	vld [tilespmem:s16+$0x30];
	[tilespmem:s15+$0x1830 ss:$0x81] =	vst.msk $0xffff, v7  }
0x46: {  	v5 =	vld [tilespmem:s16+$0xFFFFFFD0];
	[tilespmem:s15+$0x2040 ss:$0x81] =	vst.msk $0xffff, v1  }
0x47: {  	v58 =	vld [tilespmem:s16+$0xFFFFFFE0];
	[tilespmem:s15+$0x2850 ss:$0x81] =	vst.msk $0xffff, v2  }
0x48: {  	s17 =	sshra.s32 s17, $0x2;
	v59 =	vld [tilespmem:s16+$0xFFFFFFF0];
	[tilespmem:s15+$0x3060 ss:$0x81] =	vst.msk $0xffff, v3  }
0x49: {  	v60 =	vld [tilespmem:s16+$0x0];
	s14 =	sadd.s32 s17, s14;
	[tilespmem:s15+$0x0 ss:$0x81] =	vst.msk $0xffff, v0  }
0x4a: {  	v61 =	vld [tilespmem:s16+$0x10];
	[tilespmem:s14+$0x3870 ss:$0x81] =	vst.msk $0xffff, v4  }
0x4b: {  	v62 =	vld [tilespmem:s16+$0x20];
	[tilespmem:s14+$0x810 ss:$0x81] =	vst.msk $0xffff, v5  }
0x4c: {  	v63 =	vld [tilespmem:s16+$0xFFFFFFC0];
	[tilespmem:s14+$0x1020 ss:$0x81] =	vst.msk $0xffff, v58  }
0x4d: {  	[tilespmem:s14+$0x1830 ss:$0x81] =	vst.msk $0xffff, v59  }
.Ltmp4:
0x4e: {  	s29 =	sand.u32 $0xF80, s12;
	s11 =	sshll.u32 s11, $0xC;
	[tilespmem:s14+$0x2040 ss:$0x81] =	vst.msk $0xffff, v60;
	(pc) =	sbr.rel .LBB1_5-.Ltmp4, $4  }
0x4f: {  	s30 =	sshrl.u32 s12, $0x3;
	s31 =	sand.u32 $0x7, s12;
	s15 =	sadd.s32 s3, s29;
	[tilespmem:s14+$0x2850 ss:$0x81] =	vst.msk $0xffff, v61  }
0x50: {  	s16 =	sand.u32 $0xF, s30;
	s12 =	sshll.u32 s31, $0x12;
	s11 =	sadd.s32 s11, s15;
	[tilespmem:s14+$0x3060 ss:$0x81] =	vst.msk $0xffff, v62  }
0x51: {  	s12 =	sor.u32 $0x400, s12;
	[tilespmem:s14+$0x0 ss:$0x81] =	vst.msk $0xffff, v63;
	s11 =	sadd.s32 s16, s11  }
0x52: {  	[hbm4b:s11+s12] =	stream.strided.scatter [tilespmem:s13], [sflag:$0x2], $0x4000, s7, s12, $0x20;
	[tilespmem:$0x10100] =	vst v63  }
.LBB1_6:
0x53: {  	_ =	sfence.sel $0x180000  }
0x54: {  	s2 =	simm.s32 $0x1;
	[bflag:$0x0] =	sbarrier.arrive $0xFFFF  }
0x55: {  	s31 =	simm.s32 $0x2;
	[sflag:s2] =	ssyncpa.u1 $0x1  }
0x56: {  	[sflag:s31] =	ssyncpa.u1 $0x1  }
0x57: {  	p0 =	sne.s32 s1, $0x0;
	_ =	strace $0x9000004A  }
0x58: {  	s0 =	sadd.s32 @!p0 $0x100000, s0;
	[bflag:$0x2] =	sbarrier.arrive $0xFFFF  }
0x59: {  	[sflag:s0] =	ssyncadd.tile.s32 @!p0 $0x1;
	_ =	shalt  }
.Lfunc_end1:
_tile_overlayer_lowered:
.L_overlay_start_2:
0x5a: {  	(tag) =	ssettag $0x2  }
0x5b: {  	s0 =	rddreg [dreg:$0x0];
	s2 =	stileid.u32  }
0x5c: {  	s1 =	rddreg [dreg:$0x1];
	p0 =	sne.s32 s2, $0x0  }
0x5d: {  	s3 =	rddreg [dreg:$0x2];
	[bflag:$0x3] =	sbarrier.arrive $0xFFFF;
	s2 =	simm.s32 @!p0 $0x1C01  }
0x5e: {  	[timem:s3], [sflag:s2] =	dma.local @!p0 [hbm:s0], s1  }
0x5f: {  	s0 =	simm.s32 @!p0 $0x1  }
0x60: {  	_ =	swait.ge @!p0 [sflag:s0], s1  }
0x61: {  	s1 =	ssub.s32 @!p0 $0x0, s1;
	[sflag:s0] =	ssyncset.done @!p0 $0x0  }
0x62: {  	[sflag:s0] =	ssyncadd.s32 @!p0 s1  }
0x63: {  	[bflag:$0x3] =	sbarrier.arrive $0xFFFF  }
0x64: {  	_ =	shalt  }

// kernel: sparse-core-data-format-call.cloned.1.call-start
scs
called_computation_lowered:
.L_overlay_start_0:
0x0: {  	s2 =	sld [smem:$0x3FD9]  }
0x1: {  	s3 =	sld [smem:$0x3FFE];
	_ =	sdelay $0x1  }
0x2: {  	s1 =	srdreg.scid  }
0x3: {  	s0 =	sand.u32 $0x1, s1  }
0x4: {  	s18 =	sshll.u32 s0, $0xA;
	s2 =	sadd.s32 s3, s2  }
0x5: {  	s2 =	sadd.s32 s2, s18  }
0x6: {  	[smem:$0x3FC6] =	sst s2  }
0x7: {  	_ = 	snop  }
0x8: {  	s2 =	sld [smem:$0x3FD0];
	(tm) =	ssettm $0x1  }
0x9: {  	s19 =	sld [smem:$0x3FFB];
	_ =	sdelay $0x3  }
0xa: {  	_ =	strace s19  }
0xb: {  	s3 =	sld [smem:$0x3FFC];
	_ =	sdelay $0x3  }
0xc: {  	_ =	strace s3  }
0xd: {  	s3 =	sld [smem:$0x3FFD];
	_ =	sdelay $0x3  }
0xe: {  	_ =	strace s3  }
0xf: {  	_ =	strace $0x8FFFFFFF  }
0x10: {  	s20 =	sld [smem:$0x3FDB];
	_ =	sdelay $0x1  }
0x11: {  	s4 =	simm.s32 $_scs_section_size  }
0x12: {  	s5 =	simm.s32 $_size__tile_overlayer_lowered;
	s6 =	simm.s32 $_tile_overlayer_lowered  }
0x13: {  	s23 =	simm.s32 $0x1BFF;
	s22 =	sshll.u32 s6, $0x1;
	s3 =	sadd.s32 s4, s20  }
0x14: {  	s7 =	simm.s32 $0x0;
	s21 =	sshll.u32 s5, $0x1;
	s5 =	sadd.s32 s22, s3  }
0x15: {  	[timem:s7], [sflag:s23] =	dma.local [hbm:s5], s21  }
0x16: {  	_ =	swait.ge [sflag:s23], s21  }
0x17: {  	s4 =	ssub.s32 $0x0, s21;
	[sflag:s23] =	ssyncset.done $0x0  }
0x18: {  	[sflag:s23] =	ssyncadd.s32 s4;
	_ =	sdelay $0x1  }
0x19: {  	s24 =	simm.s32 $0x1B8B  }
0x1a: {  	_ =	swait.ge [sflag:s24], $0x1  }
0x1b: {  	[sflag:s24] =	ssyncset.done $0x0  }
0x1c: {  	s26 =	simm.s32 $0x1B8E;
	s25 =	sld [smem:$0x3FFE];
	[sflag:s24] =	ssyncadd.s32 $0xFFFFFFFF  }
0x1d: {  	s27 =	simm.s32 $execute0_lowered;
	[smem:$0x3FD2] =	sst s26  }
0x1e: {  	s5 =	sshll.u32 s27, $0x1;
	_ =	strace $0x8000004C;
	[dreg:$0x1] =	wrdreg $0xFFFFFFFF  }
0x1f: {  	s28 =	simm.s32 $_size_execute0_lowered;
	s3 =	sadd.s32 s3, s5;
	[dreg:$0x0] =	wrdreg $0x0  }
0x20: {  	s5 =	sshll.u32 s28, $0x1;
	[dreg:$0x2] =	wrdreg s3  }
0x21: {  	[dreg:$0x3] =	wrdreg s5  }
0x22: {  	[dreg:$0x4] =	wrdreg $0xC0  }
0x23: {  	_ =	task [dreg:s7], $0x5FFFF  }
0x24: {  	[dreg:$0x1] =	wrdreg $0xFFFFFFFF  }
0x25: {  	[dreg:$0x0] =	wrdreg $0x60  }
0x26: {  	[dreg:$0x2] =	wrdreg s25  }
0x27: {  	[dreg:$0x3] =	wrdreg s2  }
0x28: {  	[dreg:$0x4] =	wrdreg $0x9  }
0x29: {  	_ =	task.clear_ibuf [dreg:s7], $0x5FFFF;
	_ =	strace $0x9000004C  }
0x2a: {  	s29 =	simm.s32 $0x9;
	_ =	strace $0x8000004E  }
0x2b: {  	_ =	swait.ge [sflag:s29], $0x1  }
0x2c: {  	[sflag:s29] =	ssyncadd.s32 $0xFFFFFFFF  }
0x2d: {  	_ =	strace $0x9000004E  }
0x2e: {  	_ =	sfence  }
0x2f: {  	s30 =	sld [smem:$0x0];
	_ =	sdelay $0x2  }
0x30: {  	s31 =	sshll.u32 s1, $0xD;
	s1 =	sshrl.u32 s1, $0x2  }
0x31: {  	s3 =	sand.u32 $0x4000, s31;
	s1 =	sadd.s32 s1, s30  }
0x32: {  	s0 =	sor.u32 s3, s0;
	s1 =	sshll.u32 s1, $0x11  }
0x33: {  	s0 =	sor.u32 s1, s0  }
0x34: {  	s0 =	sadd.s32 $0x8F2B, s0  }
0x35: {  	[sflag:s0] =	ssyncadd.remote.s32 $0x1  }
0x36: {  	_ =	sfence.sel $0xFFFF  }
0x37: {  	[dreg:$0x0] =	wrdreg $0xFFFFFFFF;
	(pc) =	sbr.abs _section_cstart, $3  }
0x38: {  	[dreg:$0x1] =	wrdreg $0xFFFFFFFF  }
0x39: {  	_ =	task.clear_ibuf [dreg:s7], $0x2FFFF;
	_ =	strace $0x9FFFFFFF  }
0x3a: {  	(tm) =	ssettm $0x7FFFFFFF  }
0x3b: {  	_ =	shalt  }
tec
execute0_lowered:
.L_overlay_start_1:
0x0: {  	(tag) =	ssettag $0x1  }
0x1: {  	s5 =	rddreg [dreg:$0x0]  }
0x2: {  	s0 =	srdreg.scid;
	s3 =	rddreg [dreg:$0x1];
	s7 =	simm.s32 $0x1  }
0x3: {  	s8 =	simm.s32 $0x2;
	s18 =	simm.s32 $0x0;
	s1 =	sshll.u32 s0, $0x4  }
0x4: {  	s17 =	simm.s32 $0x0;
	s0 =	stileid.u32;
	s1 =	sand.u32 $0x10, s1  }
0x5: {  	s16 =	simm.s32 $0x0;
	s9 =	simm.s32 $0x0;
	s1 =	sor.u32 s0, s1  }
0x6: {  	s10 =	simm.s32 $0x0;
	s11 =	simm.s32 $0x0;
	s2 =	sshll.u32 s1, $0x7  }
0x7: {  	s12 =	simm.s32 $0x0;
	s13 =	simm.s32 $0x0;
	s6 =	ssub.s32 $0x4000, s2  }
0x8: {  	s15 =	simm.s32 $0x0;
	s5 =	sadd.s32 $0xC00, s5;
	s4 =	sand.u32 $0xF80, s6  }
.Ltmp0:
0x9: {  	s1 =	rddreg [dreg:$0x2];
	p0 =	sne.s32 s4, $0x0;
	(pc) =	sbr.rel .LBB1_1-.Ltmp0, $4  }
0xa: {  	_ =	strace $0x8000004D;
	s6 =	sshrl.u32 s6, $0xC;
	s7 =	simm.s32 @!p0 $0x0  }
0xb: {  	s14 =	smov.u32 s2;
	s4 =	simm.s32 $0x1;
	s6 =	sadd.s32 s7, s6  }
0xc: {  	[sflag:s4] =	ssyncpa.u1 $0x0;
	p0 =	por $0x0, $0x0;
	s6 =	sshll.u32 s6, $0x7  }
0xd: {  	[sflag:s8] =	ssyncpa.u1 $0x0;
	s8 =	simm.s32 $0x100000;
	s7 =	sor.u32 $0x1, s6  }
.LBB1_4:
0xe: {  	s23 =	sshra.s32 s23, $0x2;
	s24 =	sshll.u32 s11, $0x3  }
0xf: {  	s28 =	sand.u32 $0x78, s11;
	p2 =	sgt.s32 s10, $0x3F;
	s26 =	sshra.s32 s10, $0x1F  }
0x10: {  	p1 =	sgt.s32 s9, $0x48;
	s27 =	sshra.s32 s11, $0x1F;
	s25 =	sand.u32 $0x3C00, s24  }
0x11: {  	s22 =	sadd.s32 s23, s22;
	s23 =	sor.u32 s28, s25;
	s25 =	smov.u32 s10  }
0x12: {  	s29 =	sshra.s32 s9, $0x1F;
	s26 =	sand.u32 s26, s10;
	s25 =	simm.s32 @!p2 $0x3F  }
0x13: {  	p2 =	sgt.s32 s11, $0x3F80;
	s25 =	ssub.s32 s25, s26;
	s26 =	smov.u32 s11  }
0x14: {  	s27 =	sand.u32 s27, s11;
	s28 =	sadd.s32 $0xFFFFFFC1, s25;
	s26 =	simm.s32 @!p2 $0x3F80  }
0x15: {  	v5 =	vld [tilespmem:s20+$0xFFFFFFD0];
	[tilespmem:s21+$0x2040 ss:$0x81] =	vst.msk $0xffff, v4;
	s25 =	ssub.s32 $0x40, s25;
	p2 =	sgt.s32 s28, $0x0;
	s28 =	smov.u32 s9  }
0x16: {  	v58 =	vld [tilespmem:s20+$0xFFFFFFE0];
	[tilespmem:s21+$0x2850 ss:$0x81] =	vst.msk $0xffff, v3;
	s26 =	ssub.s32 s26, s27;
	s27 =	sand.u32 s29, s9;
	s29 =	sshll.u32 s10, $0x7  }
0x17: {  	v59 =	vld [tilespmem:s20+$0xFFFFFFF0];
	[tilespmem:s21+$0x3060 ss:$0x81] =	vst.msk $0xffff, v2;
	s28 =	simm.s32 @!p1 $0x48;
	s25 =	simm.s32 @p2 $0x0;
	s30 =	sadd.s32 $0xFFFFC080, s26  }
0x18: {  	[tilespmem:s21+$0x0 ss:$0x81] =	vst.msk $0xffff, v1;
	v60 =	vld [tilespmem:s20+$0x0];
	s26 =	ssub.s32 $0x4000, s26;
	s27 =	ssub.s32 s28, s27;
	p1 =	sgt.s32 s30, $0x7F  }
0x19: {  	v61 =	vld [tilespmem:s20+$0x10];
	[tilespmem:s22+$0x3870 ss:$0x81] =	vst.msk $0xffff, v0;
	s28 =	sshll.u32 s10, $0xE;
	s30 =	sand.u32 $0xFFC00, s24;
	s31 =	sadd.s32 $0xFFFFFFB8, s27  }
0x1a: {  	v62 =	vld [tilespmem:s20+$0x20];
	[tilespmem:s22+$0x810 ss:$0x81] =	vst.msk $0xffff, v5;
	s26 =	simm.s32 @p1 $0x0;
	s21 =	sand.u32 $0xE0000, s28;
	s28 =	sand.u32 $0x7, s11  }
0x1b: {  	v63 =	vld [tilespmem:s20+$0xFFFFFFC0];
	[tilespmem:s22+$0x1020 ss:$0x81] =	vst.msk $0xffff, v58;
	p1 =	sgt.s32 s31, $0x7F;
	s25 =	smul.u32 s26, s25;
	s31 =	sand.u32 $0x380, s29  }
0x1c: {  	[tilespmem:s22+$0x1830 ss:$0x81] =	vst.msk $0xffff, v59;
	s26 =	ssub.s32 $0xC8, s27;
	s20 =	sadd.s32 s30, s21;
	s27 =	sshll.u32 s9, $0x11  }
0x1d: {  	[tilespmem:s22+$0x2040 ss:$0x81] =	vst.msk $0xffff, v60;
	s23 =	sor.u32 s31, s23;
	s26 =	simm.s32 @p1 $0x0;
	s20 =	sshrl.u32 s20, $0x3  }
0x1e: {  	[tilespmem:s22+$0x2850 ss:$0x81] =	vst.msk $0xffff, v61;
	s24 =	sadd.s32 s3, s27;
	s26 =	smul.u32 s26, s25;
	s20 =	sand.u32 $0x1F800, s20  }
0x1f: {  	[tilespmem:s22+$0x3060 ss:$0x81] =	vst.msk $0xffff, v62;
	s29 =	sshll.u32 s28, $0x12;
	s21 =	sshrl.u32 s23, $0x3;
	s20 =	sadd.s32 s20, s24  }
0x20: {  	[tilespmem:s22+$0x0 ss:$0x81] =	vst.msk $0xffff, v63;
	s31 =	sor.u32 $0x80, s29;
	s30 =	sand.u32 $0x3FFFFFFF, s26;
	s20 =	sadd.s32 s21, s20  }
0x21: {  	[hbm4b:s20+s31] =	stream.strided.scatter [tilespmem:s19], [sflag:$0x2], s30, s8, s31, $0x20;
	[tilespmem:$0x10100] =	vst v63  }
.LBB1_5:
0x22: {  	p1 =	slt.u32 s15, $0x2  }
0x23: {  	p2 =	sgt.s32 @!p1 s18, $0x48  }
0x24: {  	s19 =	smov.u32 s18;
	s20 =	sshra.s32 @!p1 s18, $0x1F;
	p2 =	por !p2, p1  }
0x25: {  	s18 =	sand.u32 @!p1 s20, s18;
	s19 =	simm.s32 @p2 $0x48  }
0x26: {  	s20 =	sshra.s32 @!p1 s17, $0x1F;
	p2 =	sgt.s32 @!p1 s17, $0x3F;
	s18 =	ssub.s32 @!p1 s19, s18  }
0x27: {  	p2 =	por !p2, p1;
	s19 =	smov.u32 s17;
	s17 =	sand.u32 @!p1 s20, s17  }
0x28: {  	s20 =	sshra.s32 @!p1 s16, $0x1F;
	s19 =	simm.s32 @p2 $0x3F;
	p2 =	sgt.s32 @!p1 s16, $0x3F80  }
0x29: {  	s17 =	ssub.s32 @!p1 s19, s17;
	p2 =	por !p2, p1;
	s19 =	smov.u32 s16  }
0x2a: {  	s16 =	sand.u32 @!p1 s20, s16;
	s20 =	sadd.s32 @!p1 $0xFFFFFFC1, s17;
	s19 =	simm.s32 @p2 $0x3F80  }
0x2b: {  	p2 =	sgt.s32 @!p1 s20, $0x0;
	s16 =	ssub.s32 @!p1 s19, s16  }
0x2c: {  	s17 =	ssub.s32 @!p1 $0x40, s17;
	p2 =	por !p2, p1;
	s19 =	sadd.s32 @!p1 $0xFFFFC080, s16  }
0x2d: {  	s17 =	simm.s32 @!p2 $0x0;
	p2 =	sgt.s32 @!p1 s19, $0x7F  }
0x2e: {  	s21 =	smov.u32 s14;
	s16 =	ssub.s32 @!p1 $0x4000, s16;
	p2 =	por !p2, p1  }
0x2f: {  	s20 =	sadd.s32 @!p1 $0xFFFFFFB8, s18;
	s19 =	sadd.s32 $0x80, s12;
	s16 =	simm.s32 @!p2 $0x0  }
0x30: {  	p2 =	sgt.s32 s19, $0xC7;
	s16 =	smul.u32 @!p1 s16, s17;
	s17 =	simm.s32 $0x1  }
0x31: {  	p0 =	por !p0, !p0;
	p3 =	sgt.s32 @!p1 s20, $0x7F;
	s17 =	simm.s32 @!p2 $0x0  }
0x32: {  	s18 =	ssub.s32 @!p1 $0xC8, s18;
	p3 =	por !p3, p1;
	s20 =	sadd.s32 s17, s13  }
0x33: {  	s18 =	simm.s32 @!p3 $0x0;
	s17 =	sadd.s32 $0x1000, s14;
	p3 =	sgt.s32 s20, $0x3F  }
0x34: {  	s22 =	simm.s32 @!p1 $0x2;
	s19 =	simm.s32 @p2 $0x0;
	s21 =	smov.u32 @p3 s17  }
0x35: {  	s16 =	smul.u32 @!p1 s18, s16;
	s18 =	smov.u32 s9;
	p2 =	sgt.s32 s21, $0x3FFF  }
0x36: {  	s9 =	smov.u32 s12;
	s21 =	smov.u32 @p2 s2;
	p2 =	sne.s32 s15, s7  }
.Ltmp1:
0x37: {  	s12 =	smov.u32 s19;
	s16 =	sand.u32 @!p1 $0x3FFFFFFF, s16;
	(pc) =	sbr.rel @!p2 .LBB1_6-.Ltmp1, $4  }
0x38: {  	s20 =	simm.s32 @p3 $0x0;
	s17 =	smov.u32 s10;
	s10 =	smov.u32 s13  }
0x39: {  	_ =	swait.ge @!p1 [sflag:s22], s16;
	s23 =	ssub.s32 @!p1 $0x0, s16;
	s16 =	smov.u32 s11  }
0x3a: {  	s11 =	smov.u32 s14;
	s13 =	smov.u32 s20;
	[sflag:s22] =	ssyncset.done @!p1 $0x0  }
0x3b: {  	s15 =	sadd.s32 $0x1, s15;
	[sflag:s22] =	ssyncadd.s32 @!p1 s23;
	s14 =	smov.u32 s21  }
.LBB1_1:
0x3c: {  	p1 =	sge.u32 s15, s6  }
0x3d: {  	s31 =	sadd.s32 $0xFFFFFFFF, s15;
	s19 =	sxor.u32 @!p1 $0xFFFFFFFF, s15  }
0x3e: {  	s20 =	sshll.u32 @!p1 s13, $0x8;
	s21 =	sshll.u32 @!p1 s12, $0x3;
	s22 =	sshll.u32 @!p1 s13, $0x7  }
0x3f: {  	s23 =	sand.u32 @!p1 $0x78, s12;
	s20 =	sand.u32 @!p1 $0x3800, s20;
	s21 =	sand.u32 @!p1 $0x3C00, s21  }
0x40: {  	s19 =	sshll.u32 @!p1 s19, $0xE;
	s20 =	sadd.s32 @!p1 s20, s21;
	s21 =	sand.u32 @!p1 $0x300, s22  }
0x41: {  	s19 =	sand.u32 @!p1 $0x4000, s19;
	s20 =	sor.u32 @!p1 s21, s20;
	s21 =	sand.u32 @!p1 $0x80, s22  }
0x42: {  	s22 =	sshll.u32 @!p1 s14, $0xB;
	s21 =	sor.u32 @!p1 s23, s21;
	s20 =	sshrl.u32 @!p1 s20, $0x3  }
0x43: {  	s22 =	sadd.s32 @!p1 s5, s22;
	s23 =	sand.u32 @!p1 $0x7, s12;
	s21 =	sshrl.u32 @!p1 s21, $0x3  }
0x44: {  	s20 =	sand.u32 @!p1 $0x7E0, s20;
	s21 =	sadd.s32 @!p1 s21, s22;
	s22 =	sshll.u32 @!p1 s23, $0x12  }
0x45: {  	s20 =	sadd.s32 @!p1 s20, s21;
	s21 =	sor.u32 @!p1 $0x80, s22;
	s22 =	simm.s32 @!p1 $0x4000  }
0x46: {  	[tilespmem:s19], [sflag:$0x1] =	stream.strided.gather @!p1 [hbm4b:s20+s21], $0x4000, s22, s21, $0x38;
	[tilespmem:$0x10100] =	vst v63  }
0x47: {  	p1 =	sge.u32 s31, s6  }
.Ltmp2:
0x48: {  	_ = 	snop;
	(pc) =	sbr.rel @p1 .LBB1_5-.Ltmp2, $1  }
0x49: {  	_ =	sdelay $0x3  }
0x4a: {  	s19 =	simm.s32 $0x1  }
0x4b: {  	_ =	swait.ge [sflag:s4], $0x4000;
	s19 =	simm.s32 @!p0 $0x0  }
0x4c: {  	[sflag:s4] =	ssyncset.done $0x0;
	s20 =	sshll.u32 s19, $0xE  }
0x4d: {  	[sflag:s4] =	ssyncadd.s32 $0xFFFFC000;
	s20 =	sor.u32 $0x40, s20  }
0x4e: {  	s19 =	smul.u32 $0x10200, s19;
	v0 =	vld [tilespmem:s20+$0x30]  }
0x4f: {  	v1 =	vld [tilespmem:s20+$0xFFFFFFD0]  }
0x50: {  	s19 =	sshrl.u32 s19, $0x2;
	v5 =	vld [tilespmem:s20+$0xFFFFFFE0]  }
0x51: {  	v6 =	vld [tilespmem:s20+$0xFFFFFFF0];
	s22 =	sor.u32 $0x8000, s19  }
0x52: {  	s31 =	sand.u32 $0x1, s15;
	v4 =	vld [tilespmem:s20+$0x0];
	s21 =	sadd.s32 $0x0, s22  }
0x53: {  	v3 =	vld [tilespmem:s20+$0x10];
	s19 =	smul.u32 $0x10200, s31;
	[tilespmem:s21+$0x3870 ss:$0x81] =	vst.msk $0xffff, v0  }
0x54: {  	v2 =	vld [tilespmem:s20+$0x20];
	[tilespmem:s21+$0x810 ss:$0x81] =	vst.msk $0xffff, v1  }
0x55: {  	s19 =	sshrl.u32 s19, $0x2;
	v1 =	vld [tilespmem:s20+$0xFFFFFFC0];
	[tilespmem:s21+$0x1020 ss:$0x81] =	vst.msk $0xffff, v5;
	s20 =	sadd.s32 $0x80, s20  }
0x56: {  	s23 =	simm.s32 $0x4;
	s24 =	simm.s32 $0x8;
	s19 =	sor.u32 $0x8000, s19;
	[tilespmem:s21+$0x1830 ss:$0x81] =	vst.msk $0xffff, v6;
	v0 =	vld [tilespmem:s20+$0x30]  }
.LBB1_3:
0x57: {  	p1 =	sne.s32 s24, $0x1FC;
	v5 =	vld [tilespmem:s20+$0xFFFFFFD0];
	[tilespmem:s21+$0x2040 ss:$0x81] =	vst.msk $0xffff, v4  }
0x58: {  	v6 =	vld [tilespmem:s20+$0xFFFFFFE0];
	[tilespmem:s21+$0x2850 ss:$0x81] =	vst.msk $0xffff, v3  }
0x59: {  	s25 =	sshra.s32 s23, $0x2;
	s23 =	smov.u32 s24;
	v7 =	vld [tilespmem:s20+$0xFFFFFFF0];
	[tilespmem:s21+$0x3060 ss:$0x81] =	vst.msk $0xffff, v2  }
.Ltmp3:
0x5a: {  	v4 =	vld [tilespmem:s20+$0x0];
	[tilespmem:s21+$0x0 ss:$0x81] =	vst.msk $0xffff, v1;
	s21 =	sadd.s32 s25, s22;
	(pc) =	sbr.rel @p1 .LBB1_3-.Ltmp3, $4  }
0x5b: {  	v3 =	vld [tilespmem:s20+$0x10];
	[tilespmem:s21+$0x3870 ss:$0x81] =	vst.msk $0xffff, v0  }
0x5c: {  	[tilespmem:s21+$0x810 ss:$0x81] =	vst.msk $0xffff, v5;
	v2 =	vld [tilespmem:s20+$0x20]  }
0x5d: {  	v1 =	vld [tilespmem:s20+$0xFFFFFFC0];
	[tilespmem:s21+$0x1020 ss:$0x81] =	vst.msk $0xffff, v6;
	s20 =	sadd.s32 $0x80, s20  }
0x5e: {  	s24 =	sadd.s32 $0x4, s24;
	v0 =	vld [tilespmem:s20+$0x30];
	[tilespmem:s21+$0x1830 ss:$0x81] =	vst.msk $0xffff, v7  }
.Ltmp4:
0x5f: {  	_ = 	snop;
	(pc) =	sbr.rel .LBB1_4-.Ltmp4, $1  }
0x60: {  	_ =	sdelay $0x3  }
.LBB1_6:
0x61: {  	_ =	sfence.sel $0x180000  }
0x62: {  	s2 =	simm.s32 $0x1;
	[bflag:$0x0] =	sbarrier.arrive $0xFFFF  }
0x63: {  	s31 =	simm.s32 $0x2;
	[sflag:s2] =	ssyncpa.u1 $0x1  }
0x64: {  	[sflag:s31] =	ssyncpa.u1 $0x1  }
0x65: {  	p0 =	sne.s32 s0, $0x0;
	_ =	strace $0x9000004D  }
0x66: {  	s0 =	sadd.s32 @!p0 $0x100000, s1;
	[bflag:$0x2] =	sbarrier.arrive $0xFFFF  }
0x67: {  	[sflag:s0] =	ssyncadd.tile.s32 @!p0 $0x1;
	_ =	shalt  }
.Lfunc_end1:
_tile_overlayer_lowered:
.L_overlay_start_2:
0x68: {  	(tag) =	ssettag $0x2  }
0x69: {  	s0 =	rddreg [dreg:$0x0];
	s2 =	stileid.u32  }
0x6a: {  	s1 =	rddreg [dreg:$0x1];
	p0 =	sne.s32 s2, $0x0  }
0x6b: {  	s3 =	rddreg [dreg:$0x2];
	[bflag:$0x3] =	sbarrier.arrive $0xFFFF;
	s2 =	simm.s32 @!p0 $0x1C01  }
0x6c: {  	[timem:s3], [sflag:s2] =	dma.local @!p0 [hbm:s0], s1  }
0x6d: {  	s0 =	simm.s32 @!p0 $0x1  }
0x6e: {  	_ =	swait.ge @!p0 [sflag:s0], s1  }
0x6f: {  	s1 =	ssub.s32 @!p0 $0x0, s1;
	[sflag:s0] =	ssyncset.done @!p0 $0x0  }
0x70: {  	[sflag:s0] =	ssyncadd.s32 @!p0 s1  }
0x71: {  	[bflag:$0x3] =	sbarrier.arrive $0xFFFF  }
0x72: {  	_ =	shalt  }

</sc_bundles>
